<compile_context>
chip_gen: v7x
topology: tpu7x:2x2x1
jax: 0.10.2.dev20260603
libtpu: 0.0.44.dev20260713+nightly
codegen_flags: <defaults>
</compile_context>

<pallas_src>
import jax
import jax.numpy as jnp
from jax import lax
from jax.experimental import pallas as pl
from jax.experimental.pallas import tpu as pltpu
from jax.experimental.pallas import tpu_sc as plsc

N = 10000
E = 320000
D = 128
DH = 64
NREL = 8
NW_ALL = 9

NC = 2
NS = 16

B = 128
K = 1
EPAD = 327680
ROWS = EPAD // B
DESC = ROWS // (NS * K)

NPAD = 10112
TPS = NPAD // NS

BN = 400
NBLK = N // BN


def _mm_body(f_ref, w_ref, o_ref):
    f = f_ref[...]
    for r in range(NW_ALL):
        o_ref[r] = jnp.dot(f, w_ref[r], preferred_element_type=jnp.float32)


def _compute_xw(feat, w_all):
    return pl.pallas_call(
        _mm_body,
        grid=(NBLK,),
        in_specs=[
            pl.BlockSpec((BN, D), lambda n: (n, 0)),
            pl.BlockSpec((NW_ALL, D, D), lambda n: (0, 0, 0)),
        ],
        out_specs=pl.BlockSpec((NW_ALL, BN, D), lambda n: (0, n, 0)),
        out_shape=jax.ShapeDtypeStruct((NW_ALL, N, D), jnp.float32),
    )(feat, w_all)


def _sc_body(xw, gh, dsth, zmh, pm,
             gv, dstv, r0, r1, r2, r3, g0, g1, g2, g3, s0, s1, s2, s3,
             msg_acc):
    rows = (r0, r1, r2, r3)
    gsem = (g0, g1, g2, g3)
    ssem = (s0, s1, s2, s3)
    c = lax.axis_index("c")
    s = lax.axis_index("s")

    pltpu.sync_copy(gh.at[pl.ds(s * DESC * K * B, DESC * K * B)], gv)
    pltpu.sync_copy(dsth.at[pl.ds(s * DESC * K * B, DESC * K * B)], dstv)

    pltpu.sync_copy(zmh, msg_acc.at[pl.ds(s * TPS, TPS)])

    def g_vec(k, _):
        sl = pl.ds(k * 16, 16)
        gv[sl] = gv[sl] * 2 + c
        return 0
    lax.fori_loop(0, DESC * K * B // 16, g_vec, 0)

    plsc.subcore_barrier()

    def outer(i, _):
        for b in range(4):
            j = i * 4 + b
            jc = j - 3
            jd = j - 4

            @pl.when(jnp.logical_and(jd >= 0, jd < DESC))
            def _d(jd=jd, b=b):
                pltpu.make_async_copy(
                    rows[b],
                    msg_acc.at[dstv.at[pl.ds(jd * K * B, K * B)]],
                    ssem[b]).wait()

            @pl.when(j < DESC)
            def _g(j=j, b=b):
                pltpu.async_copy(xw.at[gv.at[pl.ds(j * K * B, K * B)]],
                                 rows[b], gsem[b])

            @pl.when(jnp.logical_and(jc >= 0, jc < DESC))
            def _c(jc=jc, bc=(b + 1) % 4):
                pltpu.make_async_copy(xw.at[gv.at[pl.ds(jc * K * B, K * B)]],
                                      rows[bc], gsem[bc]).wait()
                pltpu.async_copy(
                    rows[bc],
                    msg_acc.at[dstv.at[pl.ds(jc * K * B, K * B)]],
                    ssem[bc], add=True)
        return 0
    lax.fori_loop(0, (DESC + 4 + 3) // 4 + 1, outer, 0)

    plsc.subcore_barrier()

    pltpu.sync_copy(msg_acc.at[pl.ds(s * TPS, TPS)], pm.at[c, pl.ds(s * TPS, TPS)])


def _sc_scatter(xw_flat, g3, dst3, zm):
    mesh = plsc.VectorSubcoreMesh(core_axis_name="c", subcore_axis_name="s")
    return pl.kernel(
        _sc_body,
        out_type=jax.ShapeDtypeStruct((NC, NPAD, DH), jnp.float32),
        mesh=mesh,
        compiler_params=pltpu.CompilerParams(use_tc_tiling_on_sc=False),
        scratch_types=[
            pltpu.VMEM((DESC * K * B,), jnp.int32),
            pltpu.VMEM((DESC * K * B,), jnp.int32),
            pltpu.VMEM((K * B, DH), jnp.float32),
            pltpu.VMEM((K * B, DH), jnp.float32),
            pltpu.VMEM((K * B, DH), jnp.float32),
            pltpu.VMEM((K * B, DH), jnp.float32),
            pltpu.SemaphoreType.DMA,
            pltpu.SemaphoreType.DMA,
            pltpu.SemaphoreType.DMA,
            pltpu.SemaphoreType.DMA,
            pltpu.SemaphoreType.DMA,
            pltpu.SemaphoreType.DMA,
            pltpu.SemaphoreType.DMA,
            pltpu.SemaphoreType.DMA,
            pltpu.VMEM_SHARED((NPAD, DH), jnp.float32),
        ],
    )(xw_flat, g3, dst3, zm)


EPW = EPAD // (NC * NS)
DDE = EPW // (K * B)


def _deg_body(dsth, onesh, zdh, pd, dstv, onesv, deg_acc):
    c = lax.axis_index("c")
    s = lax.axis_index("s")
    wid = c * NS + s

    pltpu.sync_copy(dsth.at[pl.ds(wid * EPW, EPW)], dstv)
    pltpu.sync_copy(onesh, onesv)
    pltpu.sync_copy(zdh, deg_acc.at[pl.ds(s * TPS, TPS)])
    plsc.subcore_barrier()

    def blk(j, _):
        pltpu.sync_copy(onesv,
                        deg_acc.at[dstv.at[pl.ds(j * K * B, K * B)]],
                        add=True)
        return 0
    lax.fori_loop(0, DDE, blk, 0)

    plsc.subcore_barrier()
    pltpu.sync_copy(deg_acc.at[pl.ds(s * TPS, TPS)], pd.at[c, pl.ds(s * TPS, TPS)])


def _sc_deg(dst3, ones, zd):
    mesh = plsc.VectorSubcoreMesh(core_axis_name="c", subcore_axis_name="s")
    return pl.kernel(
        _deg_body,
        out_type=jax.ShapeDtypeStruct((NC, NPAD, 16), jnp.float32),
        mesh=mesh,
        compiler_params=pltpu.CompilerParams(use_tc_tiling_on_sc=False),
        scratch_types=[
            pltpu.VMEM((EPW,), jnp.int32),
            pltpu.VMEM((K * B, 16), jnp.float32),
            pltpu.VMEM_SHARED((NPAD, 16), jnp.float32),
        ],
    )(dst3, ones, zd)


def _comb_body(f_ref, ce_ref, pm_ref, pd_ref, o_ref):
    f = f_ref[...]
    p = jnp.concatenate([pm_ref[0], pm_ref[1]], axis=1)
    ce = ce_ref[0]
    d = jnp.max(pd_ref[0] + pd_ref[1], axis=1, keepdims=True)
    alpha = 1.0 / jnp.maximum(d, 1.0)
    h = p * alpha + jnp.where(d > 0.0, ce, 0.0)
    o_ref[:, :D] = f
    o_ref[:, D:] = h


def _combine(feat, xw2, pm, pd):
    return pl.pallas_call(
        _comb_body,
        grid=(NBLK,),
        in_specs=[
            pl.BlockSpec((BN, D), lambda n: (n, 0)),
            pl.BlockSpec((1, BN, D), lambda n: (NREL, n, 0)),
            pl.BlockSpec((NC, BN, DH), lambda n: (0, n, 0)),
            pl.BlockSpec((NC, BN, 16), lambda n: (0, n, 0)),
        ],
        out_specs=pl.BlockSpec((BN, 2 * D), lambda n: (n, 0)),
        out_shape=jax.ShapeDtypeStruct((N, 2 * D), jnp.float32),
    )(feat, xw2, pm, pd)


def kernel(feat, edge_index, edge_type, weight, w_comp, self_loop_weight):
    rel_weight = jnp.matmul(
        w_comp, weight.reshape(weight.shape[0], -1)
    ).reshape(NREL, D, D)
    w_all = jnp.concatenate([rel_weight, self_loop_weight[None]], axis=0)

    xw2 = _compute_xw(feat, w_all)
    xw_flat = xw2.reshape(NC * NW_ALL * N, DH)

    src = edge_index[0].astype(jnp.int32)
    dst = edge_index[1].astype(jnp.int32)
    typ = edge_type.astype(jnp.int32)
    pad = EPAD - E
    g0 = typ * N + src
    g3 = jnp.concatenate([g0, jnp.zeros((pad,), jnp.int32)])
    dst3 = jnp.concatenate([dst, jnp.full((pad,), N, jnp.int32)])

    ones = jnp.ones((K * B, 16), jnp.float32)
    zm = jnp.zeros((TPS, DH), jnp.float32)
    zd = jnp.zeros((TPS, 16), jnp.float32)

    pd = _sc_deg(dst3, ones, zd)
    pm = _sc_scatter(xw_flat, g3, dst3, zm)

    return _combine(feat, xw2, pm, pd)

# --- scband reference (transcript-rebuilt; emitter-appended) ---
"""Pipeline reference for scband-rgcnlayer-2388001817256 (READ-ONLY COPY).

The authoritative reference and input builder live on the scoring server;
editing this copy changes nothing except your own understanding.
"""

import jax, jax.numpy as jnp
import numpy as np

N = 10000
E = 320000
IN_DIM = 128
OUT_DIM = 128
NUM_RELS = 4
NUM_BASES = 2


def _xavier_uniform(key, shape, gain=float(np.sqrt(2.0))):
    fan_in, fan_out = shape[-2], shape[-1]
    bound = gain * float(np.sqrt(6.0 / (fan_in + fan_out)))
    return jax.random.uniform(key, shape, minval=-bound, maxval=bound, dtype=jnp.float32)


def setup_inputs(seed: int = 0) -> dict:
    key = jax.random.key(seed)
    k1, k2, k3, k4, k5, k6 = jax.random.split(key, 6)
    feat = jax.random.normal(k1, (N, IN_DIM), dtype=jnp.float32)
    edge_index = jax.random.randint(k2, (2, E), 0, N)
    edge_type = jax.random.randint(k3, (E,), 0, 2 * NUM_RELS)
    weight = _xavier_uniform(k4, (NUM_BASES, IN_DIM, OUT_DIM))
    w_comp = _xavier_uniform(k5, (2 * NUM_RELS, NUM_BASES))
    self_loop_weight = _xavier_uniform(k6, (IN_DIM, OUT_DIM))
    return {
        "feat": feat,
        "edge_index": edge_index,
        "edge_type": edge_type,
        "weight": weight,
        "w_comp": w_comp,
        "self_loop_weight": self_loop_weight,
    }


def reference(feat, edge_index, edge_type, weight, w_comp, self_loop_weight):
    n = feat.shape[0]
    # basis decomposition: rel_weight[r] = sum_b w_comp[r,b] * weight[b]
    rel_weight = jnp.matmul(w_comp, weight.reshape(NUM_BASES, IN_DIM * OUT_DIM)).reshape(2 * NUM_RELS, IN_DIM, OUT_DIM)
    src = edge_index[0]
    dst = edge_index[1]
    deg = jnp.bincount(dst, length=n)  # in-degrees (dst side)
    # per-edge msg: feat[src[e]] @ rel_weight[edge_type[e]]
    # computed equivalently as per-relation dense transform then gather
    xW = jnp.einsum('ni,rio->rno', feat, rel_weight)  # [2R, N, out]
    msg = xW[edge_type, src]  # [E, out]
    # alpha = 1 / in_degree(dst); aggregation = mean of messages over incoming edges
    alpha = (1.0 / jnp.maximum(deg, 1).astype(jnp.float32))[dst][:, None]
    nei_msg = jax.ops.segment_sum(alpha * msg, dst, num_segments=n)
    # self-loop term (delivered via mailbox, so only applied to nodes with in-degree > 0)
    curr_emb = jnp.matmul(feat, self_loop_weight)
    h = nei_msg + jnp.where((deg > 0)[:, None], curr_emb, 0.0)
    # is_input_layer=True: repr = concat([feat, h])
    return jnp.concatenate([feat, h], axis=1)

if __name__ == "__main__":
    import jax
    _d = setup_inputs()
    print(jax.jit(kernel)(*tuple(_d.values())))

</pallas_src>

<mosaic_0001>
#map = affine_map<(d0, d1) -> (0, 0)>
#map1 = affine_map<(d0, d1) -> (0)>
#map2 = affine_map<(d0, d1) -> (0, 0, 0)>
module attributes {stable_mosaic.version = 14 : i64} {
  func.func @_sc_body(%arg0: i32, %arg1: i32, %arg2: memref<180000x64xf32, #tpu.memory_space<hbm>>, %arg3: memref<327680xi32, #tpu.memory_space<hbm>>, %arg4: memref<327680xi32, #tpu.memory_space<hbm>>, %arg5: memref<632x64xf32, #tpu.memory_space<hbm>>, %arg6: memref<2x10112x64xf32, #tpu.memory_space<hbm>>, %arg7: memref<20480xi32, #tpu.memory_space<vmem>>, %arg8: memref<20480xi32, #tpu.memory_space<vmem>>, %arg9: memref<128x64xf32, #tpu.memory_space<vmem>>, %arg10: memref<128x64xf32, #tpu.memory_space<vmem>>, %arg11: memref<128x64xf32, #tpu.memory_space<vmem>>, %arg12: memref<128x64xf32, #tpu.memory_space<vmem>>, %arg13: memref<!tpu.dma_semaphore, #tpu.memory_space<semaphore_mem>>, %arg14: memref<!tpu.dma_semaphore, #tpu.memory_space<semaphore_mem>>, %arg15: memref<!tpu.dma_semaphore, #tpu.memory_space<semaphore_mem>>, %arg16: memref<!tpu.dma_semaphore, #tpu.memory_space<semaphore_mem>>, %arg17: memref<!tpu.dma_semaphore, #tpu.memory_space<semaphore_mem>>, %arg18: memref<!tpu.dma_semaphore, #tpu.memory_space<semaphore_mem>>, %arg19: memref<!tpu.dma_semaphore, #tpu.memory_space<semaphore_mem>>, %arg20: memref<!tpu.dma_semaphore, #tpu.memory_space<semaphore_mem>>, %arg21: memref<10112x64xf32, #tpu.memory_space<vmem_shared>>) attributes {dimension_semantics = [#tpu.dimension_semantics<core_parallel>, #tpu.dimension_semantics<subcore_parallel>], iteration_bounds = array<i64: 2, 16>, scalar_prefetch = 0 : i64, scratch_operands = 15 : i64, tpu.core_type = #tpu.core_type<sc_vector_subcore>, window_params = [{transform_indices = #map}, {transform_indices = #map1}, {transform_indices = #map1}, {transform_indices = #map}, {transform_indices = #map2}]} {
    %mul3A = arith.constant 160 : i32
    %mul3A_0 = arith.muli %arg1, %mul3A : i32
    %mul3A_1 = arith.constant 1 : i32
    %mul3A_2 = arith.muli %mul3A_0, %mul3A_1 : i32
    %mul3A_3 = arith.constant 128 : i32
    %mul3A_4 = arith.muli %mul3A_2, %mul3A_3 : i32
    "tpu.region"() ({
      %run_scoped3A = tpu.sem_alloc : memref<!tpu.dma_semaphore, #tpu.memory_space<semaphore_mem>>
      %dma_start3A = tpu.memref_slice %arg3[%mul3A_4] : memref<327680xi32, #tpu.memory_space<hbm>> -> memref<20480xi32, #tpu.memory_space<hbm>>
      %dma_start3A_31 = tpu.memref_slice %arg3[%mul3A_4] : memref<327680xi32, #tpu.memory_space<hbm>> -> memref<20480xi32, #tpu.memory_space<hbm>>
      tpu.enqueue_dma source(%dma_start3A_31 : memref<20480xi32, #tpu.memory_space<hbm>>) target(%arg7 : memref<20480xi32, #tpu.memory_space<vmem>>) target_semaphore(%run_scoped3A : memref<!tpu.dma_semaphore, #tpu.memory_space<semaphore_mem>>)
      %dma_wait3A = tpu.memref_slice %arg3[%mul3A_4] : memref<327680xi32, #tpu.memory_space<hbm>> -> memref<20480xi32, #tpu.memory_space<hbm>>
      %dma_wait3A_32 = tpu.memref_slice %arg3[%mul3A_4] : memref<327680xi32, #tpu.memory_space<hbm>> -> memref<20480xi32, #tpu.memory_space<hbm>>
      tpu.wait_dma2 semaphore(%run_scoped3A : memref<!tpu.dma_semaphore, #tpu.memory_space<semaphore_mem>>) src(%dma_wait3A_32 : memref<20480xi32, #tpu.memory_space<hbm>>) dst(%arg7 : memref<20480xi32, #tpu.memory_space<vmem>>)
      tpu.yield
    }) : () -> ()
    %mul3A_5 = arith.constant 160 : i32
    %mul3A_6 = arith.muli %arg1, %mul3A_5 : i32
    %mul3A_7 = arith.constant 1 : i32
    %mul3A_8 = arith.muli %mul3A_6, %mul3A_7 : i32
    %mul3A_9 = arith.constant 128 : i32
    %mul3A_10 = arith.muli %mul3A_8, %mul3A_9 : i32
    "tpu.region"() ({
      %run_scoped3A = tpu.sem_alloc : memref<!tpu.dma_semaphore, #tpu.memory_space<semaphore_mem>>
      %dma_start3A = tpu.memref_slice %arg4[%mul3A_10] : memref<327680xi32, #tpu.memory_space<hbm>> -> memref<20480xi32, #tpu.memory_space<hbm>>
      %dma_start3A_31 = tpu.memref_slice %arg4[%mul3A_10] : memref<327680xi32, #tpu.memory_space<hbm>> -> memref<20480xi32, #tpu.memory_space<hbm>>
      tpu.enqueue_dma source(%dma_start3A_31 : memref<20480xi32, #tpu.memory_space<hbm>>) target(%arg8 : memref<20480xi32, #tpu.memory_space<vmem>>) target_semaphore(%run_scoped3A : memref<!tpu.dma_semaphore, #tpu.memory_space<semaphore_mem>>)
      %dma_wait3A = tpu.memref_slice %arg4[%mul3A_10] : memref<327680xi32, #tpu.memory_space<hbm>> -> memref<20480xi32, #tpu.memory_space<hbm>>
      %dma_wait3A_32 = tpu.memref_slice %arg4[%mul3A_10] : memref<327680xi32, #tpu.memory_space<hbm>> -> memref<20480xi32, #tpu.memory_space<hbm>>
      tpu.wait_dma2 semaphore(%run_scoped3A : memref<!tpu.dma_semaphore, #tpu.memory_space<semaphore_mem>>) src(%dma_wait3A_32 : memref<20480xi32, #tpu.memory_space<hbm>>) dst(%arg8 : memref<20480xi32, #tpu.memory_space<vmem>>)
      tpu.yield
    }) : () -> ()
    %mul3A_11 = arith.constant 632 : i32
    %mul3A_12 = arith.muli %arg1, %mul3A_11 : i32
    "tpu.region"() ({
      %run_scoped3A = tpu.sem_alloc : memref<!tpu.dma_semaphore, #tpu.memory_space<semaphore_mem>>
      %dma_start3A = arith.constant 0 : i32
      %dma_start3A_31 = tpu.memref_slice %arg21[%mul3A_12, %dma_start3A] : memref<10112x64xf32, #tpu.memory_space<vmem_shared>> -> memref<632x64xf32, #tpu.memory_space<vmem_shared>>
      tpu.enqueue_dma source(%arg5 : memref<632x64xf32, #tpu.memory_space<hbm>>) target(%dma_start3A_31 : memref<632x64xf32, #tpu.memory_space<vmem_shared>>) target_semaphore(%run_scoped3A : memref<!tpu.dma_semaphore, #tpu.memory_space<semaphore_mem>>)
      %dma_wait3A = arith.constant 0 : i32
      %dma_wait3A_32 = tpu.memref_slice %arg21[%mul3A_12, %dma_wait3A] : memref<10112x64xf32, #tpu.memory_space<vmem_shared>> -> memref<632x64xf32, #tpu.memory_space<vmem_shared>>
      tpu.wait_dma2 semaphore(%run_scoped3A : memref<!tpu.dma_semaphore, #tpu.memory_space<semaphore_mem>>) src(%arg5 : memref<632x64xf32, #tpu.memory_space<hbm>>) dst(%dma_wait3A_32 : memref<632x64xf32, #tpu.memory_space<vmem_shared>>)
      tpu.yield
    }) : () -> ()
    %scan3A = arith.constant 0 : i32
    %scan3A_13 = arith.constant 0 : i32
    %scan3A_14 = arith.constant 1280 : i32
    %scan3A_15 = arith.addi %scan3A_13, %scan3A_14 : i32
    %scan3A_16 = arith.constant 1 : i32
    %scan3A_17 = scf.for %scan3A_31 = %scan3A_13 to %scan3A_15 step %scan3A_16 iter_args(%scan3A_32 = %scan3A) -> (i32)  : i32 {
      %mul3A_33 = arith.constant 16 : i32
      %mul3A_34 = arith.muli %scan3A_31, %mul3A_33 : i32
      %get3A = arith.index_cast %mul3A_34 : i32 to index
      %get3A_35 = tpu.vector_load %arg7[%get3A] {strides = array<i32>} : memref<20480xi32, #tpu.memory_space<vmem>>, vector<16xi32>,
      %get3A_36 = vector.shape_cast %get3A_35 : vector<16xi32> to vector<16xi32>
      %mul3A_37 = arith.constant 2 : i32
      %mul3A_38 = vector.broadcast %mul3A_37 : i32 to vector<16xi32>
      %mul3A_39 = arith.muli %get3A_36, %mul3A_38 : vector<16xi32>
      %add3A = vector.broadcast %arg0 : i32 to vector<16xi32>
      %add3A_40 = arith.addi %mul3A_39, %add3A : vector<16xi32>
      %swap3A = arith.index_cast %mul3A_34 : i32 to index
      %swap3A_41 = tpu.vector_load %arg7[%swap3A] {strides = array<i32>} : memref<20480xi32, #tpu.memory_space<vmem>>, vector<16xi32>,
      %swap3A_42 = vector.shape_cast %swap3A_41 : vector<16xi32> to vector<16xi32>
      %swap3A_43 = vector.shape_cast %add3A_40 : vector<16xi32> to vector<16xi32>
      tpu.vector_store %arg7[%swap3A], %swap3A_43 {strides = array<i32>} : memref<20480xi32, #tpu.memory_space<vmem>>, vector<16xi32>,
      %scan3A_44 = arith.constant 0 : i32
      scf.yield %scan3A_44 : i32
    }
    %scan3A_18 = arith.constant 1280 : i32
    %barrier3A = arith.constant 0 : index
    tpu.barrier barrier_id(%barrier3A)
    %scan3A_19 = arith.constant 0 : i32
    %scan3A_20 = arith.constant 0 : i32
    %scan3A_21 = arith.constant 42 : i32
    %scan3A_22 = arith.addi %scan3A_20, %scan3A_21 : i32
    %scan3A_23 = arith.constant 1 : i32
    %scan3A_24 = scf.for %scan3A_31 = %scan3A_20 to %scan3A_22 step %scan3A_23 iter_args(%scan3A_32 = %scan3A_19) -> (i32)  : i32 {
      %mul3A_33 = arith.constant 4 : i32
      %mul3A_34 = arith.muli %scan3A_31, %mul3A_33 : i32
      %add3A = arith.constant 0 : i32
      %add3A_35 = arith.addi %mul3A_34, %add3A : i32
      %sub3A = arith.constant 3 : i32
      %sub3A_36 = arith.subi %add3A_35, %sub3A : i32
      %sub3A_37 = arith.constant 4 : i32
      %sub3A_38 = arith.subi %add3A_35, %sub3A_37 : i32
      %ge3A = arith.constant 0 : i32
      %ge3A_39 = arith.cmpi sge, %sub3A_38, %ge3A : i32
      %lt3A = arith.constant 160 : i32
      %lt3A_40 = arith.cmpi slt, %sub3A_38, %lt3A : i32
      %and3A = arith.andi %ge3A_39, %lt3A_40 : i1
      %convert_element_type3A = arith.extui %and3A : i1 to i32
      %cond3A = arith.constant 0 : i32
      %cond3A_41 = arith.cmpi ne, %convert_element_type3A, %cond3A : i32
      scf.if %cond3A_41 {
        %mul3A_143 = arith.constant 1 : i32
        %mul3A_144 = arith.muli %sub3A_38, %mul3A_143 : i32
        %mul3A_145 = arith.constant 128 : i32
        %mul3A_146 = arith.muli %mul3A_144, %mul3A_145 : i32
        %dma_wait3A = tpu.memref_slice %arg8[%mul3A_146] : memref<20480xi32, #tpu.memory_space<vmem>> -> memref<128xi32, #tpu.memory_space<vmem>>
        %dma_wait3A_147 = arith.constant 0 : i32
        %dma_wait3A_148 = arith.constant 0 : i32
        %dma_wait3A_149 = tpu.memref_slice %arg21[%dma_wait3A_147, %dma_wait3A_148] : memref<10112x64xf32, #tpu.memory_space<vmem_shared>> -> memref<10112x64xf32, #tpu.memory_space<vmem_shared>>
        tpu.wait_indirect_dma semaphore(%arg17 : memref<!tpu.dma_semaphore, #tpu.memory_space<semaphore_mem>>) src(%arg9 : memref<128x64xf32, #tpu.memory_space<vmem>>) dst(%dma_wait3A_149 : memref<10112x64xf32, #tpu.memory_space<vmem_shared>>)
      } else {
      }
      %lt3A_42 = arith.constant 160 : i32
      %lt3A_43 = arith.cmpi slt, %add3A_35, %lt3A_42 : i32
      %convert_element_type3A_44 = arith.extui %lt3A_43 : i1 to i32
      %cond3A_45 = arith.constant 0 : i32
      %cond3A_46 = arith.cmpi ne, %convert_element_type3A_44, %cond3A_45 : i32
      scf.if %cond3A_46 {
        %mul3A_143 = arith.constant 1 : i32
        %mul3A_144 = arith.muli %add3A_35, %mul3A_143 : i32
        %mul3A_145 = arith.constant 128 : i32
        %mul3A_146 = arith.muli %mul3A_144, %mul3A_145 : i32
        %dma_start3A = tpu.memref_slice %arg7[%mul3A_146] : memref<20480xi32, #tpu.memory_space<vmem>> -> memref<128xi32, #tpu.memory_space<vmem>>
        %dma_start3A_147 = arith.constant 0 : i32
        %dma_start3A_148 = arith.constant 0 : i32
        %dma_start3A_149 = tpu.memref_slice %arg2[%dma_start3A_147, %dma_start3A_148] : memref<180000x64xf32, #tpu.memory_space<hbm>> -> memref<180000x64xf32, #tpu.memory_space<hbm>>
        tpu.enqueue_indirect_dma source(%dma_start3A_149 : memref<180000x64xf32, #tpu.memory_space<hbm>>) target(%arg9 : memref<128x64xf32, #tpu.memory_space<vmem>>) offsets(%dma_start3A : memref<128xi32, #tpu.memory_space<vmem>>) semaphore(%arg13 : memref<!tpu.dma_semaphore, #tpu.memory_space<semaphore_mem>>)
      } else {
      }
      %ge3A_47 = arith.constant 0 : i32
      %ge3A_48 = arith.cmpi sge, %sub3A_36, %ge3A_47 : i32
      %lt3A_49 = arith.constant 160 : i32
      %lt3A_50 = arith.cmpi slt, %sub3A_36, %lt3A_49 : i32
      %and3A_51 = arith.andi %ge3A_48, %lt3A_50 : i1
      %convert_element_type3A_52 = arith.extui %and3A_51 : i1 to i32
      %cond3A_53 = arith.constant 0 : i32
      %cond3A_54 = arith.cmpi ne, %convert_element_type3A_52, %cond3A_53 : i32
      scf.if %cond3A_54 {
        %mul3A_143 = arith.constant 1 : i32
        %mul3A_144 = arith.muli %sub3A_36, %mul3A_143 : i32
        %mul3A_145 = arith.constant 128 : i32
        %mul3A_146 = arith.muli %mul3A_144, %mul3A_145 : i32
        %dma_wait3A = tpu.memref_slice %arg7[%mul3A_146] : memref<20480xi32, #tpu.memory_space<vmem>> -> memref<128xi32, #tpu.memory_space<vmem>>
        %dma_wait3A_147 = arith.constant 0 : i32
        %dma_wait3A_148 = arith.constant 0 : i32
        %dma_wait3A_149 = tpu.memref_slice %arg2[%dma_wait3A_147, %dma_wait3A_148] : memref<180000x64xf32, #tpu.memory_space<hbm>> -> memref<180000x64xf32, #tpu.memory_space<hbm>>
        tpu.wait_indirect_dma semaphore(%arg14 : memref<!tpu.dma_semaphore, #tpu.memory_space<semaphore_mem>>) src(%dma_wait3A_149 : memref<180000x64xf32, #tpu.memory_space<hbm>>) dst(%arg10 : memref<128x64xf32, #tpu.memory_space<vmem>>)
        %mul3A_150 = arith.constant 1 : i32
        %mul3A_151 = arith.muli %sub3A_36, %mul3A_150 : i32
        %mul3A_152 = arith.constant 128 : i32
        %mul3A_153 = arith.muli %mul3A_151, %mul3A_152 : i32
        %dma_start3A = tpu.memref_slice %arg8[%mul3A_153] : memref<20480xi32, #tpu.memory_space<vmem>> -> memref<128xi32, #tpu.memory_space<vmem>>
        %dma_start3A_154 = arith.constant 0 : i32
        %dma_start3A_155 = arith.constant 0 : i32
        %dma_start3A_156 = tpu.memref_slice %arg21[%dma_start3A_154, %dma_start3A_155] : memref<10112x64xf32, #tpu.memory_space<vmem_shared>> -> memref<10112x64xf32, #tpu.memory_space<vmem_shared>>
        tpu.enqueue_indirect_dma source(%arg10 : memref<128x64xf32, #tpu.memory_space<vmem>>) target(%dma_start3A_156 : memref<10112x64xf32, #tpu.memory_space<vmem_shared>>) offsets(%dma_start3A : memref<128xi32, #tpu.memory_space<vmem>>) semaphore(%arg18 : memref<!tpu.dma_semaphore, #tpu.memory_space<semaphore_mem>>) {add = true}
      } else {
      }
      %mul3A_55 = arith.constant 4 : i32
      %mul3A_56 = arith.muli %scan3A_31, %mul3A_55 : i32
      %add3A_57 = arith.constant 1 : i32
      %add3A_58 = arith.addi %mul3A_56, %add3A_57 : i32
      %sub3A_59 = arith.constant 3 : i32
      %sub3A_60 = arith.subi %add3A_58, %sub3A_59 : i32
      %sub3A_61 = arith.constant 4 : i32
      %sub3A_62 = arith.subi %add3A_58, %sub3A_61 : i32
      %ge3A_63 = arith.constant 0 : i32
      %ge3A_64 = arith.cmpi sge, %sub3A_62, %ge3A_63 : i32
      %lt3A_65 = arith.constant 160 : i32
      %lt3A_66 = arith.cmpi slt, %sub3A_62, %lt3A_65 : i32
      %and3A_67 = arith.andi %ge3A_64, %lt3A_66 : i1
      %convert_element_type3A_68 = arith.extui %and3A_67 : i1 to i32
      %cond3A_69 = arith.constant 0 : i32
      %cond3A_70 = arith.cmpi ne, %convert_element_type3A_68, %cond3A_69 : i32
      scf.if %cond3A_70 {
        %mul3A_143 = arith.constant 1 : i32
        %mul3A_144 = arith.muli %sub3A_62, %mul3A_143 : i32
        %mul3A_145 = arith.constant 128 : i32
        %mul3A_146 = arith.muli %mul3A_144, %mul3A_145 : i32
        %dma_wait3A = tpu.memref_slice %arg8[%mul3A_146] : memref<20480xi32, #tpu.memory_space<vmem>> -> memref<128xi32, #tpu.memory_space<vmem>>
        %dma_wait3A_147 = arith.constant 0 : i32
        %dma_wait3A_148 = arith.constant 0 : i32
        %dma_wait3A_149 = tpu.memref_slice %arg21[%dma_wait3A_147, %dma_wait3A_148] : memref<10112x64xf32, #tpu.memory_space<vmem_shared>> -> memref<10112x64xf32, #tpu.memory_space<vmem_shared>>
        tpu.wait_indirect_dma semaphore(%arg18 : memref<!tpu.dma_semaphore, #tpu.memory_space<semaphore_mem>>) src(%arg10 : memref<128x64xf32, #tpu.memory_space<vmem>>) dst(%dma_wait3A_149 : memref<10112x64xf32, #tpu.memory_space<vmem_shared>>)
      } else {
      }
      %lt3A_71 = arith.constant 160 : i32
      %lt3A_72 = arith.cmpi slt, %add3A_58, %lt3A_71 : i32
      %convert_element_type3A_73 = arith.extui %lt3A_72 : i1 to i32
      %cond3A_74 = arith.constant 0 : i32
      %cond3A_75 = arith.cmpi ne, %convert_element_type3A_73, %cond3A_74 : i32
      scf.if %cond3A_75 {
        %mul3A_143 = arith.constant 1 : i32
        %mul3A_144 = arith.muli %add3A_58, %mul3A_143 : i32
        %mul3A_145 = arith.constant 128 : i32
        %mul3A_146 = arith.muli %mul3A_144, %mul3A_145 : i32
        %dma_start3A = tpu.memref_slice %arg7[%mul3A_146] : memref<20480xi32, #tpu.memory_space<vmem>> -> memref<128xi32, #tpu.memory_space<vmem>>
        %dma_start3A_147 = arith.constant 0 : i32
        %dma_start3A_148 = arith.constant 0 : i32
        %dma_start3A_149 = tpu.memref_slice %arg2[%dma_start3A_147, %dma_start3A_148] : memref<180000x64xf32, #tpu.memory_space<hbm>> -> memref<180000x64xf32, #tpu.memory_space<hbm>>
        tpu.enqueue_indirect_dma source(%dma_start3A_149 : memref<180000x64xf32, #tpu.memory_space<hbm>>) target(%arg10 : memref<128x64xf32, #tpu.memory_space<vmem>>) offsets(%dma_start3A : memref<128xi32, #tpu.memory_space<vmem>>) semaphore(%arg14 : memref<!tpu.dma_semaphore, #tpu.memory_space<semaphore_mem>>)
      } else {
      }
      %ge3A_76 = arith.constant 0 : i32
      %ge3A_77 = arith.cmpi sge, %sub3A_60, %ge3A_76 : i32
      %lt3A_78 = arith.constant 160 : i32
      %lt3A_79 = arith.cmpi slt, %sub3A_60, %lt3A_78 : i32
      %and3A_80 = arith.andi %ge3A_77, %lt3A_79 : i1
      %convert_element_type3A_81 = arith.extui %and3A_80 : i1 to i32
      %cond3A_82 = arith.constant 0 : i32
      %cond3A_83 = arith.cmpi ne, %convert_element_type3A_81, %cond3A_82 : i32
      scf.if %cond3A_83 {
        %mul3A_143 = arith.constant 1 : i32
        %mul3A_144 = arith.muli %sub3A_60, %mul3A_143 : i32
        %mul3A_145 = arith.constant 128 : i32
        %mul3A_146 = arith.muli %mul3A_144, %mul3A_145 : i32
        %dma_wait3A = tpu.memref_slice %arg7[%mul3A_146] : memref<20480xi32, #tpu.memory_space<vmem>> -> memref<128xi32, #tpu.memory_space<vmem>>
        %dma_wait3A_147 = arith.constant 0 : i32
        %dma_wait3A_148 = arith.constant 0 : i32
        %dma_wait3A_149 = tpu.memref_slice %arg2[%dma_wait3A_147, %dma_wait3A_148] : memref<180000x64xf32, #tpu.memory_space<hbm>> -> memref<180000x64xf32, #tpu.memory_space<hbm>>
        tpu.wait_indirect_dma semaphore(%arg15 : memref<!tpu.dma_semaphore, #tpu.memory_space<semaphore_mem>>) src(%dma_wait3A_149 : memref<180000x64xf32, #tpu.memory_space<hbm>>) dst(%arg11 : memref<128x64xf32, #tpu.memory_space<vmem>>)
        %mul3A_150 = arith.constant 1 : i32
        %mul3A_151 = arith.muli %sub3A_60, %mul3A_150 : i32
        %mul3A_152 = arith.constant 128 : i32
        %mul3A_153 = arith.muli %mul3A_151, %mul3A_152 : i32
        %dma_start3A = tpu.memref_slice %arg8[%mul3A_153] : memref<20480xi32, #tpu.memory_space<vmem>> -> memref<128xi32, #tpu.memory_space<vmem>>
        %dma_start3A_154 = arith.constant 0 : i32
        %dma_start3A_155 = arith.constant 0 : i32
        %dma_start3A_156 = tpu.memref_slice %arg21[%dma_start3A_154, %dma_start3A_155] : memref<10112x64xf32, #tpu.memory_space<vmem_shared>> -> memref<10112x64xf32, #tpu.memory_space<vmem_shared>>
        tpu.enqueue_indirect_dma source(%arg11 : memref<128x64xf32, #tpu.memory_space<vmem>>) target(%dma_start3A_156 : memref<10112x64xf32, #tpu.memory_space<vmem_shared>>) offsets(%dma_start3A : memref<128xi32, #tpu.memory_space<vmem>>) semaphore(%arg19 : memref<!tpu.dma_semaphore, #tpu.memory_space<semaphore_mem>>) {add = true}
      } else {
      }
      %mul3A_84 = arith.constant 4 : i32
      %mul3A_85 = arith.muli %scan3A_31, %mul3A_84 : i32
      %add3A_86 = arith.constant 2 : i32
      %add3A_87 = arith.addi %mul3A_85, %add3A_86 : i32
      %sub3A_88 = arith.constant 3 : i32
      %sub3A_89 = arith.subi %add3A_87, %sub3A_88 : i32
      %sub3A_90 = arith.constant 4 : i32
      %sub3A_91 = arith.subi %add3A_87, %sub3A_90 : i32
      %ge3A_92 = arith.constant 0 : i32
      %ge3A_93 = arith.cmpi sge, %sub3A_91, %ge3A_92 : i32
      %lt3A_94 = arith.constant 160 : i32
      %lt3A_95 = arith.cmpi slt, %sub3A_91, %lt3A_94 : i32
      %and3A_96 = arith.andi %ge3A_93, %lt3A_95 : i1
      %convert_element_type3A_97 = arith.extui %and3A_96 : i1 to i32
      %cond3A_98 = arith.constant 0 : i32
      %cond3A_99 = arith.cmpi ne, %convert_element_type3A_97, %cond3A_98 : i32
      scf.if %cond3A_99 {
        %mul3A_143 = arith.constant 1 : i32
        %mul3A_144 = arith.muli %sub3A_91, %mul3A_143 : i32
        %mul3A_145 = arith.constant 128 : i32
        %mul3A_146 = arith.muli %mul3A_144, %mul3A_145 : i32
        %dma_wait3A = tpu.memref_slice %arg8[%mul3A_146] : memref<20480xi32, #tpu.memory_space<vmem>> -> memref<128xi32, #tpu.memory_space<vmem>>
        %dma_wait3A_147 = arith.constant 0 : i32
        %dma_wait3A_148 = arith.constant 0 : i32
        %dma_wait3A_149 = tpu.memref_slice %arg21[%dma_wait3A_147, %dma_wait3A_148] : memref<10112x64xf32, #tpu.memory_space<vmem_shared>> -> memref<10112x64xf32, #tpu.memory_space<vmem_shared>>
        tpu.wait_indirect_dma semaphore(%arg19 : memref<!tpu.dma_semaphore, #tpu.memory_space<semaphore_mem>>) src(%arg11 : memref<128x64xf32, #tpu.memory_space<vmem>>) dst(%dma_wait3A_149 : memref<10112x64xf32, #tpu.memory_space<vmem_shared>>)
      } else {
      }
      %lt3A_100 = arith.constant 160 : i32
      %lt3A_101 = arith.cmpi slt, %add3A_87, %lt3A_100 : i32
      %convert_element_type3A_102 = arith.extui %lt3A_101 : i1 to i32
      %cond3A_103 = arith.constant 0 : i32
      %cond3A_104 = arith.cmpi ne, %convert_element_type3A_102, %cond3A_103 : i32
      scf.if %cond3A_104 {
        %mul3A_143 = arith.constant 1 : i32
        %mul3A_144 = arith.muli %add3A_87, %mul3A_143 : i32
        %mul3A_145 = arith.constant 128 : i32
        %mul3A_146 = arith.muli %mul3A_144, %mul3A_145 : i32
        %dma_start3A = tpu.memref_slice %arg7[%mul3A_146] : memref<20480xi32, #tpu.memory_space<vmem>> -> memref<128xi32, #tpu.memory_space<vmem>>
        %dma_start3A_147 = arith.constant 0 : i32
        %dma_start3A_148 = arith.constant 0 : i32
        %dma_start3A_149 = tpu.memref_slice %arg2[%dma_start3A_147, %dma_start3A_148] : memref<180000x64xf32, #tpu.memory_space<hbm>> -> memref<180000x64xf32, #tpu.memory_space<hbm>>
        tpu.enqueue_indirect_dma source(%dma_start3A_149 : memref<180000x64xf32, #tpu.memory_space<hbm>>) target(%arg11 : memref<128x64xf32, #tpu.memory_space<vmem>>) offsets(%dma_start3A : memref<128xi32, #tpu.memory_space<vmem>>) semaphore(%arg15 : memref<!tpu.dma_semaphore, #tpu.memory_space<semaphore_mem>>)
      } else {
      }
      %ge3A_105 = arith.constant 0 : i32
      %ge3A_106 = arith.cmpi sge, %sub3A_89, %ge3A_105 : i32
      %lt3A_107 = arith.constant 160 : i32
      %lt3A_108 = arith.cmpi slt, %sub3A_89, %lt3A_107 : i32
      %and3A_109 = arith.andi %ge3A_106, %lt3A_108 : i1
      %convert_element_type3A_110 = arith.extui %and3A_109 : i1 to i32
      %cond3A_111 = arith.constant 0 : i32
      %cond3A_112 = arith.cmpi ne, %convert_element_type3A_110, %cond3A_111 : i32
      scf.if %cond3A_112 {
        %mul3A_143 = arith.constant 1 : i32
        %mul3A_144 = arith.muli %sub3A_89, %mul3A_143 : i32
        %mul3A_145 = arith.constant 128 : i32
        %mul3A_146 = arith.muli %mul3A_144, %mul3A_145 : i32
        %dma_wait3A = tpu.memref_slice %arg7[%mul3A_146] : memref<20480xi32, #tpu.memory_space<vmem>> -> memref<128xi32, #tpu.memory_space<vmem>>
        %dma_wait3A_147 = arith.constant 0 : i32
        %dma_wait3A_148 = arith.constant 0 : i32
        %dma_wait3A_149 = tpu.memref_slice %arg2[%dma_wait3A_147, %dma_wait3A_148] : memref<180000x64xf32, #tpu.memory_space<hbm>> -> memref<180000x64xf32, #tpu.memory_space<hbm>>
        tpu.wait_indirect_dma semaphore(%arg16 : memref<!tpu.dma_semaphore, #tpu.memory_space<semaphore_mem>>) src(%dma_wait3A_149 : memref<180000x64xf32, #tpu.memory_space<hbm>>) dst(%arg12 : memref<128x64xf32, #tpu.memory_space<vmem>>)
        %mul3A_150 = arith.constant 1 : i32
        %mul3A_151 = arith.muli %sub3A_89, %mul3A_150 : i32
        %mul3A_152 = arith.constant 128 : i32
        %mul3A_153 = arith.muli %mul3A_151, %mul3A_152 : i32
        %dma_start3A = tpu.memref_slice %arg8[%mul3A_153] : memref<20480xi32, #tpu.memory_space<vmem>> -> memref<128xi32, #tpu.memory_space<vmem>>
        %dma_start3A_154 = arith.constant 0 : i32
        %dma_start3A_155 = arith.constant 0 : i32
        %dma_start3A_156 = tpu.memref_slice %arg21[%dma_start3A_154, %dma_start3A_155] : memref<10112x64xf32, #tpu.memory_space<vmem_shared>> -> memref<10112x64xf32, #tpu.memory_space<vmem_shared>>
        tpu.enqueue_indirect_dma source(%arg12 : memref<128x64xf32, #tpu.memory_space<vmem>>) target(%dma_start3A_156 : memref<10112x64xf32, #tpu.memory_space<vmem_shared>>) offsets(%dma_start3A : memref<128xi32, #tpu.memory_space<vmem>>) semaphore(%arg20 : memref<!tpu.dma_semaphore, #tpu.memory_space<semaphore_mem>>) {add = true}
      } else {
      }
      %mul3A_113 = arith.constant 4 : i32
      %mul3A_114 = arith.muli %scan3A_31, %mul3A_113 : i32
      %add3A_115 = arith.constant 3 : i32
      %add3A_116 = arith.addi %mul3A_114, %add3A_115 : i32
      %sub3A_117 = arith.constant 3 : i32
      %sub3A_118 = arith.subi %add3A_116, %sub3A_117 : i32
      %sub3A_119 = arith.constant 4 : i32
      %sub3A_120 = arith.subi %add3A_116, %sub3A_119 : i32
      %ge3A_121 = arith.constant 0 : i32
      %ge3A_122 = arith.cmpi sge, %sub3A_120, %ge3A_121 : i32
      %lt3A_123 = arith.constant 160 : i32
      %lt3A_124 = arith.cmpi slt, %sub3A_120, %lt3A_123 : i32
      %and3A_125 = arith.andi %ge3A_122, %lt3A_124 : i1
      %convert_element_type3A_126 = arith.extui %and3A_125 : i1 to i32
      %cond3A_127 = arith.constant 0 : i32
      %cond3A_128 = arith.cmpi ne, %convert_element_type3A_126, %cond3A_127 : i32
      scf.if %cond3A_128 {
        %mul3A_143 = arith.constant 1 : i32
        %mul3A_144 = arith.muli %sub3A_120, %mul3A_143 : i32
        %mul3A_145 = arith.constant 128 : i32
        %mul3A_146 = arith.muli %mul3A_144, %mul3A_145 : i32
        %dma_wait3A = tpu.memref_slice %arg8[%mul3A_146] : memref<20480xi32, #tpu.memory_space<vmem>> -> memref<128xi32, #tpu.memory_space<vmem>>
        %dma_wait3A_147 = arith.constant 0 : i32
        %dma_wait3A_148 = arith.constant 0 : i32
        %dma_wait3A_149 = tpu.memref_slice %arg21[%dma_wait3A_147, %dma_wait3A_148] : memref<10112x64xf32, #tpu.memory_space<vmem_shared>> -> memref<10112x64xf32, #tpu.memory_space<vmem_shared>>
        tpu.wait_indirect_dma semaphore(%arg20 : memref<!tpu.dma_semaphore, #tpu.memory_space<semaphore_mem>>) src(%arg12 : memref<128x64xf32, #tpu.memory_space<vmem>>) dst(%dma_wait3A_149 : memref<10112x64xf32, #tpu.memory_space<vmem_shared>>)
      } else {
      }
      %lt3A_129 = arith.constant 160 : i32
      %lt3A_130 = arith.cmpi slt, %add3A_116, %lt3A_129 : i32
      %convert_element_type3A_131 = arith.extui %lt3A_130 : i1 to i32
      %cond3A_132 = arith.constant 0 : i32
      %cond3A_133 = arith.cmpi ne, %convert_element_type3A_131, %cond3A_132 : i32
      scf.if %cond3A_133 {
        %mul3A_143 = arith.constant 1 : i32
        %mul3A_144 = arith.muli %add3A_116, %mul3A_143 : i32
        %mul3A_145 = arith.constant 128 : i32
        %mul3A_146 = arith.muli %mul3A_144, %mul3A_145 : i32
        %dma_start3A = tpu.memref_slice %arg7[%mul3A_146] : memref<20480xi32, #tpu.memory_space<vmem>> -> memref<128xi32, #tpu.memory_space<vmem>>
        %dma_start3A_147 = arith.constant 0 : i32
        %dma_start3A_148 = arith.constant 0 : i32
        %dma_start3A_149 = tpu.memref_slice %arg2[%dma_start3A_147, %dma_start3A_148] : memref<180000x64xf32, #tpu.memory_space<hbm>> -> memref<180000x64xf32, #tpu.memory_space<hbm>>
        tpu.enqueue_indirect_dma source(%dma_start3A_149 : memref<180000x64xf32, #tpu.memory_space<hbm>>) target(%arg12 : memref<128x64xf32, #tpu.memory_space<vmem>>) offsets(%dma_start3A : memref<128xi32, #tpu.memory_space<vmem>>) semaphore(%arg16 : memref<!tpu.dma_semaphore, #tpu.memory_space<semaphore_mem>>)
      } else {
      }
      %ge3A_134 = arith.constant 0 : i32
      %ge3A_135 = arith.cmpi sge, %sub3A_118, %ge3A_134 : i32
      %lt3A_136 = arith.constant 160 : i32
      %lt3A_137 = arith.cmpi slt, %sub3A_118, %lt3A_136 : i32
      %and3A_138 = arith.andi %ge3A_135, %lt3A_137 : i1
      %convert_element_type3A_139 = arith.extui %and3A_138 : i1 to i32
      %cond3A_140 = arith.constant 0 : i32
      %cond3A_141 = arith.cmpi ne, %convert_element_type3A_139, %cond3A_140 : i32
      scf.if %cond3A_141 {
        %mul3A_143 = arith.constant 1 : i32
        %mul3A_144 = arith.muli %sub3A_118, %mul3A_143 : i32
        %mul3A_145 = arith.constant 128 : i32
        %mul3A_146 = arith.muli %mul3A_144, %mul3A_145 : i32
        %dma_wait3A = tpu.memref_slice %arg7[%mul3A_146] : memref<20480xi32, #tpu.memory_space<vmem>> -> memref<128xi32, #tpu.memory_space<vmem>>
        %dma_wait3A_147 = arith.constant 0 : i32
        %dma_wait3A_148 = arith.constant 0 : i32
        %dma_wait3A_149 = tpu.memref_slice %arg2[%dma_wait3A_147, %dma_wait3A_148] : memref<180000x64xf32, #tpu.memory_space<hbm>> -> memref<180000x64xf32, #tpu.memory_space<hbm>>
        tpu.wait_indirect_dma semaphore(%arg13 : memref<!tpu.dma_semaphore, #tpu.memory_space<semaphore_mem>>) src(%dma_wait3A_149 : memref<180000x64xf32, #tpu.memory_space<hbm>>) dst(%arg9 : memref<128x64xf32, #tpu.memory_space<vmem>>)
        %mul3A_150 = arith.constant 1 : i32
        %mul3A_151 = arith.muli %sub3A_118, %mul3A_150 : i32
        %mul3A_152 = arith.constant 128 : i32
        %mul3A_153 = arith.muli %mul3A_151, %mul3A_152 : i32
        %dma_start3A = tpu.memref_slice %arg8[%mul3A_153] : memref<20480xi32, #tpu.memory_space<vmem>> -> memref<128xi32, #tpu.memory_space<vmem>>
        %dma_start3A_154 = arith.constant 0 : i32
        %dma_start3A_155 = arith.constant 0 : i32
        %dma_start3A_156 = tpu.memref_slice %arg21[%dma_start3A_154, %dma_start3A_155] : memref<10112x64xf32, #tpu.memory_space<vmem_shared>> -> memref<10112x64xf32, #tpu.memory_space<vmem_shared>>
        tpu.enqueue_indirect_dma source(%arg9 : memref<128x64xf32, #tpu.memory_space<vmem>>) target(%dma_start3A_156 : memref<10112x64xf32, #tpu.memory_space<vmem_shared>>) offsets(%dma_start3A : memref<128xi32, #tpu.memory_space<vmem>>) semaphore(%arg17 : memref<!tpu.dma_semaphore, #tpu.memory_space<semaphore_mem>>) {add = true}
      } else {
      }
      %scan3A_142 = arith.constant 0 : i32
      scf.yield %scan3A_142 : i32
    }
    %scan3A_25 = arith.constant 42 : i32
    %barrier3A_26 = arith.constant 0 : index
    tpu.barrier barrier_id(%barrier3A_26)
    %mul3A_27 = arith.constant 632 : i32
    %mul3A_28 = arith.muli %arg1, %mul3A_27 : i32
    %mul3A_29 = arith.constant 632 : i32
    %mul3A_30 = arith.muli %arg1, %mul3A_29 : i32
    "tpu.region"() ({
      %run_scoped3A = tpu.sem_alloc : memref<!tpu.dma_semaphore, #tpu.memory_space<semaphore_mem>>
      %dma_start3A = arith.constant 0 : i32
      %dma_start3A_31 = tpu.memref_slice %arg6[%arg0, %mul3A_30, %dma_start3A] : memref<2x10112x64xf32, #tpu.memory_space<hbm>> -> memref<1x632x64xf32, #tpu.memory_space<hbm>>
      %dma_start3A_32 = tpu.memref_squeeze %dma_start3A_31 : memref<1x632x64xf32, #tpu.memory_space<hbm>> -> memref<632x64xf32, #tpu.memory_space<hbm>>
      %dma_start3A_33 = arith.constant 0 : i32
      %dma_start3A_34 = tpu.memref_slice %arg21[%mul3A_28, %dma_start3A_33] : memref<10112x64xf32, #tpu.memory_space<vmem_shared>> -> memref<632x64xf32, #tpu.memory_space<vmem_shared>>
      tpu.enqueue_dma source(%dma_start3A_34 : memref<632x64xf32, #tpu.memory_space<vmem_shared>>) target(%dma_start3A_32 : memref<632x64xf32, #tpu.memory_space<hbm>>) target_semaphore(%run_scoped3A : memref<!tpu.dma_semaphore, #tpu.memory_space<semaphore_mem>>)
      %dma_wait3A = arith.constant 0 : i32
      %dma_wait3A_35 = tpu.memref_slice %arg6[%arg0, %mul3A_30, %dma_wait3A] : memref<2x10112x64xf32, #tpu.memory_space<hbm>> -> memref<1x632x64xf32, #tpu.memory_space<hbm>>
      %dma_wait3A_36 = tpu.memref_squeeze %dma_wait3A_35 : memref<1x632x64xf32, #tpu.memory_space<hbm>> -> memref<632x64xf32, #tpu.memory_space<hbm>>
      %dma_wait3A_37 = arith.constant 0 : i32
      %dma_wait3A_38 = tpu.memref_slice %arg21[%mul3A_28, %dma_wait3A_37] : memref<10112x64xf32, #tpu.memory_space<vmem_shared>> -> memref<632x64xf32, #tpu.memory_space<vmem_shared>>
      tpu.wait_dma2 semaphore(%run_scoped3A : memref<!tpu.dma_semaphore, #tpu.memory_space<semaphore_mem>>) src(%dma_wait3A_38 : memref<632x64xf32, #tpu.memory_space<vmem_shared>>) dst(%dma_wait3A_36 : memref<632x64xf32, #tpu.memory_space<hbm>>)
      tpu.yield
    }) : () -> ()
    return
  }
}

#map = affine_map<(d0, d1) -> (0)>
#map1 = affine_map<(d0, d1) -> (0, 0)>
#map2 = affine_map<(d0, d1) -> (0, 0, 0)>
module attributes {stable_mosaic.version = 14 : i64} {
  func.func @_deg_body(%arg0: i32, %arg1: i32, %arg2: memref<327680xi32, #tpu.memory_space<hbm>>, %arg3: memref<128x16xf32, #tpu.memory_space<hbm>>, %arg4: memref<632x16xf32, #tpu.memory_space<hbm>>, %arg5: memref<2x10112x16xf32, #tpu.memory_space<hbm>>, %arg6: memref<10240xi32, #tpu.memory_space<vmem>>, %arg7: memref<128x16xf32, #tpu.memory_space<vmem>>, %arg8: memref<10112x16xf32, #tpu.memory_space<vmem_shared>>) attributes {dimension_semantics = [#tpu.dimension_semantics<core_parallel>, #tpu.dimension_semantics<subcore_parallel>], iteration_bounds = array<i64: 2, 16>, scalar_prefetch = 0 : i64, scratch_operands = 3 : i64, tpu.core_type = #tpu.core_type<sc_vector_subcore>, window_params = [{transform_indices = #map}, {transform_indices = #map1}, {transform_indices = #map1}, {transform_indices = #map2}]} {
    %mul3A = arith.constant 16 : i32
    %mul3A_0 = arith.muli %arg0, %mul3A : i32
    %add3A = arith.addi %mul3A_0, %arg1 : i32
    %mul3A_1 = arith.constant 10240 : i32
    %mul3A_2 = arith.muli %add3A, %mul3A_1 : i32
    "tpu.region"() ({
      %run_scoped3A = tpu.sem_alloc : memref<!tpu.dma_semaphore, #tpu.memory_space<semaphore_mem>>
      %dma_start3A = tpu.memref_slice %arg2[%mul3A_2] : memref<327680xi32, #tpu.memory_space<hbm>> -> memref<10240xi32, #tpu.memory_space<hbm>>
      %dma_start3A_16 = tpu.memref_slice %arg2[%mul3A_2] : memref<327680xi32, #tpu.memory_space<hbm>> -> memref<10240xi32, #tpu.memory_space<hbm>>
      tpu.enqueue_dma source(%dma_start3A_16 : memref<10240xi32, #tpu.memory_space<hbm>>) target(%arg6 : memref<10240xi32, #tpu.memory_space<vmem>>) target_semaphore(%run_scoped3A : memref<!tpu.dma_semaphore, #tpu.memory_space<semaphore_mem>>)
      %dma_wait3A = tpu.memref_slice %arg2[%mul3A_2] : memref<327680xi32, #tpu.memory_space<hbm>> -> memref<10240xi32, #tpu.memory_space<hbm>>
      %dma_wait3A_17 = tpu.memref_slice %arg2[%mul3A_2] : memref<327680xi32, #tpu.memory_space<hbm>> -> memref<10240xi32, #tpu.memory_space<hbm>>
      tpu.wait_dma2 semaphore(%run_scoped3A : memref<!tpu.dma_semaphore, #tpu.memory_space<semaphore_mem>>) src(%dma_wait3A_17 : memref<10240xi32, #tpu.memory_space<hbm>>) dst(%arg6 : memref<10240xi32, #tpu.memory_space<vmem>>)
      tpu.yield
    }) : () -> ()
    "tpu.region"() ({
      %run_scoped3A = tpu.sem_alloc : memref<!tpu.dma_semaphore, #tpu.memory_space<semaphore_mem>>
      tpu.enqueue_dma source(%arg3 : memref<128x16xf32, #tpu.memory_space<hbm>>) target(%arg7 : memref<128x16xf32, #tpu.memory_space<vmem>>) target_semaphore(%run_scoped3A : memref<!tpu.dma_semaphore, #tpu.memory_space<semaphore_mem>>)
      tpu.wait_dma2 semaphore(%run_scoped3A : memref<!tpu.dma_semaphore, #tpu.memory_space<semaphore_mem>>) src(%arg3 : memref<128x16xf32, #tpu.memory_space<hbm>>) dst(%arg7 : memref<128x16xf32, #tpu.memory_space<vmem>>)
      tpu.yield
    }) : () -> ()
    %mul3A_3 = arith.constant 632 : i32
    %mul3A_4 = arith.muli %arg1, %mul3A_3 : i32
    "tpu.region"() ({
      %run_scoped3A = tpu.sem_alloc : memref<!tpu.dma_semaphore, #tpu.memory_space<semaphore_mem>>
      %dma_start3A = arith.constant 0 : i32
      %dma_start3A_16 = tpu.memref_slice %arg8[%mul3A_4, %dma_start3A] : memref<10112x16xf32, #tpu.memory_space<vmem_shared>> -> memref<632x16xf32, #tpu.memory_space<vmem_shared>>
      tpu.enqueue_dma source(%arg4 : memref<632x16xf32, #tpu.memory_space<hbm>>) target(%dma_start3A_16 : memref<632x16xf32, #tpu.memory_space<vmem_shared>>) target_semaphore(%run_scoped3A : memref<!tpu.dma_semaphore, #tpu.memory_space<semaphore_mem>>)
      %dma_wait3A = arith.constant 0 : i32
      %dma_wait3A_17 = tpu.memref_slice %arg8[%mul3A_4, %dma_wait3A] : memref<10112x16xf32, #tpu.memory_space<vmem_shared>> -> memref<632x16xf32, #tpu.memory_space<vmem_shared>>
      tpu.wait_dma2 semaphore(%run_scoped3A : memref<!tpu.dma_semaphore, #tpu.memory_space<semaphore_mem>>) src(%arg4 : memref<632x16xf32, #tpu.memory_space<hbm>>) dst(%dma_wait3A_17 : memref<632x16xf32, #tpu.memory_space<vmem_shared>>)
      tpu.yield
    }) : () -> ()
    %barrier3A = arith.constant 0 : index
    tpu.barrier barrier_id(%barrier3A)
    %scan3A = arith.constant 0 : i32
    %scan3A_5 = arith.constant 0 : i32
    %scan3A_6 = arith.constant 80 : i32
    %scan3A_7 = arith.addi %scan3A_5, %scan3A_6 : i32
    %scan3A_8 = arith.constant 1 : i32
    %scan3A_9 = scf.for %scan3A_16 = %scan3A_5 to %scan3A_7 step %scan3A_8 iter_args(%scan3A_17 = %scan3A) -> (i32)  : i32 {
      %mul3A_18 = arith.constant 1 : i32
      %mul3A_19 = arith.muli %scan3A_16, %mul3A_18 : i32
      %mul3A_20 = arith.constant 128 : i32
      %mul3A_21 = arith.muli %mul3A_19, %mul3A_20 : i32
      "tpu.region"() ({
        %run_scoped3A = tpu.sem_alloc : memref<!tpu.dma_semaphore, #tpu.memory_space<semaphore_mem>>
        %dma_start3A = tpu.memref_slice %arg6[%mul3A_21] : memref<10240xi32, #tpu.memory_space<vmem>> -> memref<128xi32, #tpu.memory_space<vmem>>
        %dma_start3A_23 = arith.constant 0 : i32
        %dma_start3A_24 = arith.constant 0 : i32
        %dma_start3A_25 = tpu.memref_slice %arg8[%dma_start3A_23, %dma_start3A_24] : memref<10112x16xf32, #tpu.memory_space<vmem_shared>> -> memref<10112x16xf32, #tpu.memory_space<vmem_shared>>
        tpu.enqueue_indirect_dma source(%arg7 : memref<128x16xf32, #tpu.memory_space<vmem>>) target(%dma_start3A_25 : memref<10112x16xf32, #tpu.memory_space<vmem_shared>>) offsets(%dma_start3A : memref<128xi32, #tpu.memory_space<vmem>>) semaphore(%run_scoped3A : memref<!tpu.dma_semaphore, #tpu.memory_space<semaphore_mem>>) {add = true}
        %dma_wait3A = tpu.memref_slice %arg6[%mul3A_21] : memref<10240xi32, #tpu.memory_space<vmem>> -> memref<128xi32, #tpu.memory_space<vmem>>
        %dma_wait3A_26 = arith.constant 0 : i32
        %dma_wait3A_27 = arith.constant 0 : i32
        %dma_wait3A_28 = tpu.memref_slice %arg8[%dma_wait3A_26, %dma_wait3A_27] : memref<10112x16xf32, #tpu.memory_space<vmem_shared>> -> memref<10112x16xf32, #tpu.memory_space<vmem_shared>>
        tpu.wait_indirect_dma semaphore(%run_scoped3A : memref<!tpu.dma_semaphore, #tpu.memory_space<semaphore_mem>>) src(%arg7 : memref<128x16xf32, #tpu.memory_space<vmem>>) dst(%dma_wait3A_28 : memref<10112x16xf32, #tpu.memory_space<vmem_shared>>)
        tpu.yield
      }) : () -> ()
      %scan3A_22 = arith.constant 0 : i32
      scf.yield %scan3A_22 : i32
    }
    %scan3A_10 = arith.constant 80 : i32
    %barrier3A_11 = arith.constant 0 : index
    tpu.barrier barrier_id(%barrier3A_11)
    %mul3A_12 = arith.constant 632 : i32
    %mul3A_13 = arith.muli %arg1, %mul3A_12 : i32
    %mul3A_14 = arith.constant 632 : i32
    %mul3A_15 = arith.muli %arg1, %mul3A_14 : i32
    "tpu.region"() ({
      %run_scoped3A = tpu.sem_alloc : memref<!tpu.dma_semaphore, #tpu.memory_space<semaphore_mem>>
      %dma_start3A = arith.constant 0 : i32
      %dma_start3A_16 = tpu.memref_slice %arg5[%arg0, %mul3A_15, %dma_start3A] : memref<2x10112x16xf32, #tpu.memory_space<hbm>> -> memref<1x632x16xf32, #tpu.memory_space<hbm>>
      %dma_start3A_17 = tpu.memref_squeeze %dma_start3A_16 : memref<1x632x16xf32, #tpu.memory_space<hbm>> -> memref<632x16xf32, #tpu.memory_space<hbm>>
      %dma_start3A_18 = arith.constant 0 : i32
      %dma_start3A_19 = tpu.memref_slice %arg8[%mul3A_13, %dma_start3A_18] : memref<10112x16xf32, #tpu.memory_space<vmem_shared>> -> memref<632x16xf32, #tpu.memory_space<vmem_shared>>
      tpu.enqueue_dma source(%dma_start3A_19 : memref<632x16xf32, #tpu.memory_space<vmem_shared>>) target(%dma_start3A_17 : memref<632x16xf32, #tpu.memory_space<hbm>>) target_semaphore(%run_scoped3A : memref<!tpu.dma_semaphore, #tpu.memory_space<semaphore_mem>>)
      %dma_wait3A = arith.constant 0 : i32
      %dma_wait3A_20 = tpu.memref_slice %arg5[%arg0, %mul3A_15, %dma_wait3A] : memref<2x10112x16xf32, #tpu.memory_space<hbm>> -> memref<1x632x16xf32, #tpu.memory_space<hbm>>
      %dma_wait3A_21 = tpu.memref_squeeze %dma_wait3A_20 : memref<1x632x16xf32, #tpu.memory_space<hbm>> -> memref<632x16xf32, #tpu.memory_space<hbm>>
      %dma_wait3A_22 = arith.constant 0 : i32
      %dma_wait3A_23 = tpu.memref_slice %arg8[%mul3A_13, %dma_wait3A_22] : memref<10112x16xf32, #tpu.memory_space<vmem_shared>> -> memref<632x16xf32, #tpu.memory_space<vmem_shared>>
      tpu.wait_dma2 semaphore(%run_scoped3A : memref<!tpu.dma_semaphore, #tpu.memory_space<semaphore_mem>>) src(%dma_wait3A_23 : memref<632x16xf32, #tpu.memory_space<vmem_shared>>) dst(%dma_wait3A_21 : memref<632x16xf32, #tpu.memory_space<hbm>>)
      tpu.yield
    }) : () -> ()
    return
  }
}

module attributes {stable_mosaic.version = 14 : i64} {
  func.func @_mm_body(%arg0: i32, %arg1: memref<400x128xf32, #tpu.memory_space<vmem>>, %arg2: memref<9x128x128xf32, #tpu.memory_space<vmem>>, %arg3: memref<9x400x128xf32, #tpu.memory_space<vmem>>) attributes {dimension_semantics = [#tpu.dimension_semantics<arbitrary>], iteration_bounds = array<i64: 25>, scalar_prefetch = 0 : i64, scratch_operands = 0 : i64, tpu.core_type = #tpu.core_type<tc>, window_params = [{transform_indices = @transform_0, window_bounds = array<i64: 400, 128>}, {pipeline_mode = #tpu.pipeline_mode<synchronous>, transform_indices = @transform_1, window_bounds = array<i64: 9, 128, 128>}, {transform_indices = @transform_2, window_bounds = array<i64: 9, 400, 128>}]} {
    %get3A = arith.constant 0 : index
    %get3A_0 = arith.constant 0 : index
    %get3A_1 = vector.load %arg1[%get3A, %get3A_0] : memref<400x128xf32, #tpu.memory_space<vmem>>, vector<400x128xf32>
    %get3A_2 = arith.constant 0 : index
    %get3A_3 = arith.constant 0 : index
    %get3A_4 = arith.constant 0 : index
    %get3A_5 = vector.load %arg2[%get3A_2, %get3A_3, %get3A_4] : memref<9x128x128xf32, #tpu.memory_space<vmem>>, vector<1x128x128xf32>
    %get3A_6 = vector.shape_cast %get3A_5 : vector<1x128x128xf32> to vector<128x128xf32>
    %dot_general3A = arith.constant dense<0.000000e+00> : vector<400x128xf32>
    %dot_general3A_7 = tpu.matmul %get3A_1, %get3A_6, %dot_general3A {dimension_numbers = #tpu.dot_dimension_numbers<[1], [0], [0], [1], [0, 0, 1, 1], [], []>, transpose_lhs_hint = false} : vector<400x128xf32>, vector<128x128xf32>, vector<400x128xf32> -> vector<400x128xf32>
    %swap3A = arith.constant 0 : index
    %swap3A_8 = arith.constant 0 : index
    %swap3A_9 = arith.constant 0 : index
    %swap3A_10 = vector.load %arg3[%swap3A, %swap3A_8, %swap3A_9] : memref<9x400x128xf32, #tpu.memory_space<vmem>>, vector<1x400x128xf32>
    %swap3A_11 = vector.shape_cast %swap3A_10 : vector<1x400x128xf32> to vector<400x128xf32>
    %swap3A_12 = vector.shape_cast %dot_general3A_7 : vector<400x128xf32> to vector<1x400x128xf32>
    tpu.vector_store %arg3[%swap3A, %swap3A_8, %swap3A_9], %swap3A_12 {strides = array<i32>} : memref<9x400x128xf32, #tpu.memory_space<vmem>>, vector<1x400x128xf32>,
    %get3A_13 = arith.constant 1 : index
    %get3A_14 = arith.constant 0 : index
    %get3A_15 = arith.constant 0 : index
    %get3A_16 = vector.load %arg2[%get3A_13, %get3A_14, %get3A_15] : memref<9x128x128xf32, #tpu.memory_space<vmem>>, vector<1x128x128xf32>
    %get3A_17 = vector.shape_cast %get3A_16 : vector<1x128x128xf32> to vector<128x128xf32>
    %dot_general3A_18 = arith.constant dense<0.000000e+00> : vector<400x128xf32>
    %dot_general3A_19 = tpu.matmul %get3A_1, %get3A_17, %dot_general3A_18 {dimension_numbers = #tpu.dot_dimension_numbers<[1], [0], [0], [1], [0, 0, 1, 1], [], []>, transpose_lhs_hint = false} : vector<400x128xf32>, vector<128x128xf32>, vector<400x128xf32> -> vector<400x128xf32>
    %swap3A_20 = arith.constant 1 : index
    %swap3A_21 = arith.constant 0 : index
    %swap3A_22 = arith.constant 0 : index
    %swap3A_23 = vector.load %arg3[%swap3A_20, %swap3A_21, %swap3A_22] : memref<9x400x128xf32, #tpu.memory_space<vmem>>, vector<1x400x128xf32>
    %swap3A_24 = vector.shape_cast %swap3A_23 : vector<1x400x128xf32> to vector<400x128xf32>
    %swap3A_25 = vector.shape_cast %dot_general3A_19 : vector<400x128xf32> to vector<1x400x128xf32>
    tpu.vector_store %arg3[%swap3A_20, %swap3A_21, %swap3A_22], %swap3A_25 {strides = array<i32>} : memref<9x400x128xf32, #tpu.memory_space<vmem>>, vector<1x400x128xf32>,
    %get3A_26 = arith.constant 2 : index
    %get3A_27 = arith.constant 0 : index
    %get3A_28 = arith.constant 0 : index
    %get3A_29 = vector.load %arg2[%get3A_26, %get3A_27, %get3A_28] : memref<9x128x128xf32, #tpu.memory_space<vmem>>, vector<1x128x128xf32>
    %get3A_30 = vector.shape_cast %get3A_29 : vector<1x128x128xf32> to vector<128x128xf32>
    %dot_general3A_31 = arith.constant dense<0.000000e+00> : vector<400x128xf32>
    %dot_general3A_32 = tpu.matmul %get3A_1, %get3A_30, %dot_general3A_31 {dimension_numbers = #tpu.dot_dimension_numbers<[1], [0], [0], [1], [0, 0, 1, 1], [], []>, transpose_lhs_hint = false} : vector<400x128xf32>, vector<128x128xf32>, vector<400x128xf32> -> vector<400x128xf32>
    %swap3A_33 = arith.constant 2 : index
    %swap3A_34 = arith.constant 0 : index
    %swap3A_35 = arith.constant 0 : index
    %swap3A_36 = vector.load %arg3[%swap3A_33, %swap3A_34, %swap3A_35] : memref<9x400x128xf32, #tpu.memory_space<vmem>>, vector<1x400x128xf32>
    %swap3A_37 = vector.shape_cast %swap3A_36 : vector<1x400x128xf32> to vector<400x128xf32>
    %swap3A_38 = vector.shape_cast %dot_general3A_32 : vector<400x128xf32> to vector<1x400x128xf32>
    tpu.vector_store %arg3[%swap3A_33, %swap3A_34, %swap3A_35], %swap3A_38 {strides = array<i32>} : memref<9x400x128xf32, #tpu.memory_space<vmem>>, vector<1x400x128xf32>,
    %get3A_39 = arith.constant 3 : index
    %get3A_40 = arith.constant 0 : index
    %get3A_41 = arith.constant 0 : index
    %get3A_42 = vector.load %arg2[%get3A_39, %get3A_40, %get3A_41] : memref<9x128x128xf32, #tpu.memory_space<vmem>>, vector<1x128x128xf32>
    %get3A_43 = vector.shape_cast %get3A_42 : vector<1x128x128xf32> to vector<128x128xf32>
    %dot_general3A_44 = arith.constant dense<0.000000e+00> : vector<400x128xf32>
    %dot_general3A_45 = tpu.matmul %get3A_1, %get3A_43, %dot_general3A_44 {dimension_numbers = #tpu.dot_dimension_numbers<[1], [0], [0], [1], [0, 0, 1, 1], [], []>, transpose_lhs_hint = false} : vector<400x128xf32>, vector<128x128xf32>, vector<400x128xf32> -> vector<400x128xf32>
    %swap3A_46 = arith.constant 3 : index
    %swap3A_47 = arith.constant 0 : index
    %swap3A_48 = arith.constant 0 : index
    %swap3A_49 = vector.load %arg3[%swap3A_46, %swap3A_47, %swap3A_48] : memref<9x400x128xf32, #tpu.memory_space<vmem>>, vector<1x400x128xf32>
    %swap3A_50 = vector.shape_cast %swap3A_49 : vector<1x400x128xf32> to vector<400x128xf32>
    %swap3A_51 = vector.shape_cast %dot_general3A_45 : vector<400x128xf32> to vector<1x400x128xf32>
    tpu.vector_store %arg3[%swap3A_46, %swap3A_47, %swap3A_48], %swap3A_51 {strides = array<i32>} : memref<9x400x128xf32, #tpu.memory_space<vmem>>, vector<1x400x128xf32>,
    %get3A_52 = arith.constant 4 : index
    %get3A_53 = arith.constant 0 : index
    %get3A_54 = arith.constant 0 : index
    %get3A_55 = vector.load %arg2[%get3A_52, %get3A_53, %get3A_54] : memref<9x128x128xf32, #tpu.memory_space<vmem>>, vector<1x128x128xf32>
    %get3A_56 = vector.shape_cast %get3A_55 : vector<1x128x128xf32> to vector<128x128xf32>
    %dot_general3A_57 = arith.constant dense<0.000000e+00> : vector<400x128xf32>
    %dot_general3A_58 = tpu.matmul %get3A_1, %get3A_56, %dot_general3A_57 {dimension_numbers = #tpu.dot_dimension_numbers<[1], [0], [0], [1], [0, 0, 1, 1], [], []>, transpose_lhs_hint = false} : vector<400x128xf32>, vector<128x128xf32>, vector<400x128xf32> -> vector<400x128xf32>
    %swap3A_59 = arith.constant 4 : index
    %swap3A_60 = arith.constant 0 : index
    %swap3A_61 = arith.constant 0 : index
    %swap3A_62 = vector.load %arg3[%swap3A_59, %swap3A_60, %swap3A_61] : memref<9x400x128xf32, #tpu.memory_space<vmem>>, vector<1x400x128xf32>
    %swap3A_63 = vector.shape_cast %swap3A_62 : vector<1x400x128xf32> to vector<400x128xf32>
    %swap3A_64 = vector.shape_cast %dot_general3A_58 : vector<400x128xf32> to vector<1x400x128xf32>
    tpu.vector_store %arg3[%swap3A_59, %swap3A_60, %swap3A_61], %swap3A_64 {strides = array<i32>} : memref<9x400x128xf32, #tpu.memory_space<vmem>>, vector<1x400x128xf32>,
    %get3A_65 = arith.constant 5 : index
    %get3A_66 = arith.constant 0 : index
    %get3A_67 = arith.constant 0 : index
    %get3A_68 = vector.load %arg2[%get3A_65, %get3A_66, %get3A_67] : memref<9x128x128xf32, #tpu.memory_space<vmem>>, vector<1x128x128xf32>
    %get3A_69 = vector.shape_cast %get3A_68 : vector<1x128x128xf32> to vector<128x128xf32>
    %dot_general3A_70 = arith.constant dense<0.000000e+00> : vector<400x128xf32>
    %dot_general3A_71 = tpu.matmul %get3A_1, %get3A_69, %dot_general3A_70 {dimension_numbers = #tpu.dot_dimension_numbers<[1], [0], [0], [1], [0, 0, 1, 1], [], []>, transpose_lhs_hint = false} : vector<400x128xf32>, vector<128x128xf32>, vector<400x128xf32> -> vector<400x128xf32>
    %swap3A_72 = arith.constant 5 : index
    %swap3A_73 = arith.constant 0 : index
    %swap3A_74 = arith.constant 0 : index
    %swap3A_75 = vector.load %arg3[%swap3A_72, %swap3A_73, %swap3A_74] : memref<9x400x128xf32, #tpu.memory_space<vmem>>, vector<1x400x128xf32>
    %swap3A_76 = vector.shape_cast %swap3A_75 : vector<1x400x128xf32> to vector<400x128xf32>
    %swap3A_77 = vector.shape_cast %dot_general3A_71 : vector<400x128xf32> to vector<1x400x128xf32>
    tpu.vector_store %arg3[%swap3A_72, %swap3A_73, %swap3A_74], %swap3A_77 {strides = array<i32>} : memref<9x400x128xf32, #tpu.memory_space<vmem>>, vector<1x400x128xf32>,
    %get3A_78 = arith.constant 6 : index
    %get3A_79 = arith.constant 0 : index
    %get3A_80 = arith.constant 0 : index
    %get3A_81 = vector.load %arg2[%get3A_78, %get3A_79, %get3A_80] : memref<9x128x128xf32, #tpu.memory_space<vmem>>, vector<1x128x128xf32>
    %get3A_82 = vector.shape_cast %get3A_81 : vector<1x128x128xf32> to vector<128x128xf32>
    %dot_general3A_83 = arith.constant dense<0.000000e+00> : vector<400x128xf32>
    %dot_general3A_84 = tpu.matmul %get3A_1, %get3A_82, %dot_general3A_83 {dimension_numbers = #tpu.dot_dimension_numbers<[1], [0], [0], [1], [0, 0, 1, 1], [], []>, transpose_lhs_hint = false} : vector<400x128xf32>, vector<128x128xf32>, vector<400x128xf32> -> vector<400x128xf32>
    %swap3A_85 = arith.constant 6 : index
    %swap3A_86 = arith.constant 0 : index
    %swap3A_87 = arith.constant 0 : index
    %swap3A_88 = vector.load %arg3[%swap3A_85, %swap3A_86, %swap3A_87] : memref<9x400x128xf32, #tpu.memory_space<vmem>>, vector<1x400x128xf32>
    %swap3A_89 = vector.shape_cast %swap3A_88 : vector<1x400x128xf32> to vector<400x128xf32>
    %swap3A_90 = vector.shape_cast %dot_general3A_84 : vector<400x128xf32> to vector<1x400x128xf32>
    tpu.vector_store %arg3[%swap3A_85, %swap3A_86, %swap3A_87], %swap3A_90 {strides = array<i32>} : memref<9x400x128xf32, #tpu.memory_space<vmem>>, vector<1x400x128xf32>,
    %get3A_91 = arith.constant 7 : index
    %get3A_92 = arith.constant 0 : index
    %get3A_93 = arith.constant 0 : index
    %get3A_94 = vector.load %arg2[%get3A_91, %get3A_92, %get3A_93] : memref<9x128x128xf32, #tpu.memory_space<vmem>>, vector<1x128x128xf32>
    %get3A_95 = vector.shape_cast %get3A_94 : vector<1x128x128xf32> to vector<128x128xf32>
    %dot_general3A_96 = arith.constant dense<0.000000e+00> : vector<400x128xf32>
    %dot_general3A_97 = tpu.matmul %get3A_1, %get3A_95, %dot_general3A_96 {dimension_numbers = #tpu.dot_dimension_numbers<[1], [0], [0], [1], [0, 0, 1, 1], [], []>, transpose_lhs_hint = false} : vector<400x128xf32>, vector<128x128xf32>, vector<400x128xf32> -> vector<400x128xf32>
    %swap3A_98 = arith.constant 7 : index
    %swap3A_99 = arith.constant 0 : index
    %swap3A_100 = arith.constant 0 : index
    %swap3A_101 = vector.load %arg3[%swap3A_98, %swap3A_99, %swap3A_100] : memref<9x400x128xf32, #tpu.memory_space<vmem>>, vector<1x400x128xf32>
    %swap3A_102 = vector.shape_cast %swap3A_101 : vector<1x400x128xf32> to vector<400x128xf32>
    %swap3A_103 = vector.shape_cast %dot_general3A_97 : vector<400x128xf32> to vector<1x400x128xf32>
    tpu.vector_store %arg3[%swap3A_98, %swap3A_99, %swap3A_100], %swap3A_103 {strides = array<i32>} : memref<9x400x128xf32, #tpu.memory_space<vmem>>, vector<1x400x128xf32>,
    %get3A_104 = arith.constant 8 : index
    %get3A_105 = arith.constant 0 : index
    %get3A_106 = arith.constant 0 : index
    %get3A_107 = vector.load %arg2[%get3A_104, %get3A_105, %get3A_106] : memref<9x128x128xf32, #tpu.memory_space<vmem>>, vector<1x128x128xf32>
    %get3A_108 = vector.shape_cast %get3A_107 : vector<1x128x128xf32> to vector<128x128xf32>
    %dot_general3A_109 = arith.constant dense<0.000000e+00> : vector<400x128xf32>
    %dot_general3A_110 = tpu.matmul %get3A_1, %get3A_108, %dot_general3A_109 {dimension_numbers = #tpu.dot_dimension_numbers<[1], [0], [0], [1], [0, 0, 1, 1], [], []>, transpose_lhs_hint = false} : vector<400x128xf32>, vector<128x128xf32>, vector<400x128xf32> -> vector<400x128xf32>
    %swap3A_111 = arith.constant 8 : index
    %swap3A_112 = arith.constant 0 : index
    %swap3A_113 = arith.constant 0 : index
    %swap3A_114 = vector.load %arg3[%swap3A_111, %swap3A_112, %swap3A_113] : memref<9x400x128xf32, #tpu.memory_space<vmem>>, vector<1x400x128xf32>
    %swap3A_115 = vector.shape_cast %swap3A_114 : vector<1x400x128xf32> to vector<400x128xf32>
    %swap3A_116 = vector.shape_cast %dot_general3A_110 : vector<400x128xf32> to vector<1x400x128xf32>
    tpu.vector_store %arg3[%swap3A_111, %swap3A_112, %swap3A_113], %swap3A_116 {strides = array<i32>} : memref<9x400x128xf32, #tpu.memory_space<vmem>>, vector<1x400x128xf32>,
    return
  }
  func.func @transform_0(%arg0: i32) -> (i32, i32) {
    %c0_i32 = arith.constant 0 : i32
    %c0_i32_0 = arith.constant 0 : i32
    return %arg0, %c0_i32 : i32, i32
  }
  func.func @transform_1(%arg0: i32) -> (i32, i32, i32) {
    %c0_i32 = arith.constant 0 : i32
    %c0_i32_0 = arith.constant 0 : i32
    %c0_i32_1 = arith.constant 0 : i32
    %c0_i32_2 = arith.constant 0 : i32
    return %c0_i32, %c0_i32_0, %c0_i32_1 : i32, i32, i32
  }
  func.func @transform_2(%arg0: i32) -> (i32, i32, i32) {
    %c0_i32 = arith.constant 0 : i32
    %c0_i32_0 = arith.constant 0 : i32
    %c0_i32_1 = arith.constant 0 : i32
    return %c0_i32, %arg0, %c0_i32_0 : i32, i32, i32
  }
}

module attributes {stable_mosaic.version = 14 : i64} {
  func.func @_comb_body(%arg0: i32, %arg1: memref<400x128xf32, #tpu.memory_space<vmem>>, %arg2: memref<1x400x128xf32, #tpu.memory_space<vmem>>, %arg3: memref<2x400x64xf32, #tpu.memory_space<vmem>>, %arg4: memref<2x400x16xf32, #tpu.memory_space<vmem>>, %arg5: memref<400x256xf32, #tpu.memory_space<vmem>>) attributes {dimension_semantics = [#tpu.dimension_semantics<arbitrary>], iteration_bounds = array<i64: 25>, scalar_prefetch = 0 : i64, scratch_operands = 0 : i64, tpu.core_type = #tpu.core_type<tc>, window_params = [{transform_indices = @transform_0, window_bounds = array<i64: 400, 128>}, {transform_indices = @transform_1, window_bounds = array<i64: 1, 400, 128>}, {transform_indices = @transform_2, window_bounds = array<i64: 2, 400, 64>}, {transform_indices = @transform_3, window_bounds = array<i64: 2, 400, 16>}, {transform_indices = @transform_4, window_bounds = array<i64: 400, 256>}]} {
    %get3A = arith.constant 0 : index
    %get3A_0 = arith.constant 0 : index
    %get3A_1 = vector.load %arg1[%get3A, %get3A_0] : memref<400x128xf32, #tpu.memory_space<vmem>>, vector<400x128xf32>
    %get3A_2 = arith.constant 0 : index
    %get3A_3 = arith.constant 0 : index
    %get3A_4 = arith.constant 0 : index
    %get3A_5 = vector.load %arg3[%get3A_2, %get3A_3, %get3A_4] : memref<2x400x64xf32, #tpu.memory_space<vmem>>, vector<1x400x64xf32>
    %get3A_6 = vector.shape_cast %get3A_5 : vector<1x400x64xf32> to vector<400x64xf32>
    %get3A_7 = arith.constant 1 : index
    %get3A_8 = arith.constant 0 : index
    %get3A_9 = arith.constant 0 : index
    %get3A_10 = vector.load %arg3[%get3A_7, %get3A_8, %get3A_9] : memref<2x400x64xf32, #tpu.memory_space<vmem>>, vector<1x400x64xf32>
    %get3A_11 = vector.shape_cast %get3A_10 : vector<1x400x64xf32> to vector<400x64xf32>
    %concatenate3A = tpu.concatenate %get3A_6, %get3A_11 in 1 : vector<400x64xf32>, vector<400x64xf32> -> vector<400x128xf32>
    %get3A_12 = arith.constant 0 : index
    %get3A_13 = arith.constant 0 : index
    %get3A_14 = arith.constant 0 : index
    %get3A_15 = vector.load %arg2[%get3A_12, %get3A_13, %get3A_14] : memref<1x400x128xf32, #tpu.memory_space<vmem>>, vector<1x400x128xf32>
    %get3A_16 = vector.shape_cast %get3A_15 : vector<1x400x128xf32> to vector<400x128xf32>
    %get3A_17 = arith.constant 0 : index
    %get3A_18 = arith.constant 0 : index
    %get3A_19 = arith.constant 0 : index
    %get3A_20 = vector.load %arg4[%get3A_17, %get3A_18, %get3A_19] : memref<2x400x16xf32, #tpu.memory_space<vmem>>, vector<1x400x16xf32>
    %get3A_21 = vector.shape_cast %get3A_20 : vector<1x400x16xf32> to vector<400x16xf32>
    %get3A_22 = arith.constant 1 : index
    %get3A_23 = arith.constant 0 : index
    %get3A_24 = arith.constant 0 : index
    %get3A_25 = vector.load %arg4[%get3A_22, %get3A_23, %get3A_24] : memref<2x400x16xf32, #tpu.memory_space<vmem>>, vector<1x400x16xf32>
    %get3A_26 = vector.shape_cast %get3A_25 : vector<1x400x16xf32> to vector<400x16xf32>
    %add3A = arith.addf %get3A_21, %get3A_26 : vector<400x16xf32>
    %reduce_max3A = arith.constant dense<0xFF800000> : vector<400xf32>
    %reduce_max3A_27 = vector.multi_reduction <maximumf>, %add3A, %reduce_max3A [1] : vector<400x16xf32> to vector<400xf32>
    %broadcast_in_dim3A = vector.shape_cast %reduce_max3A_27 : vector<400xf32> to vector<400x1xf32>
    %max3A = arith.constant 1.000000e+00 : f32
    %max3A_28 = vector.broadcast %max3A : f32 to vector<400x1xf32>
    %max3A_29 = arith.maximumf %broadcast_in_dim3A, %max3A_28 : vector<400x1xf32>
    %div3A = arith.constant 1.000000e+00 : f32
    %div3A_30 = vector.broadcast %div3A : f32 to vector<400x1xf32>
    %div3A_31 = arith.divf %div3A_30, %max3A_29 : vector<400x1xf32>
    %mul3A = vector.broadcast %div3A_31 : vector<400x1xf32> to vector<400x128xf32>
    %mul3A_32 = arith.mulf %concatenate3A, %mul3A : vector<400x128xf32>
    %gt3A = arith.constant 0.000000e+00 : f32
    %gt3A_33 = vector.broadcast %gt3A : f32 to vector<400x1xf32>
    %gt3A_34 = arith.cmpf ogt, %broadcast_in_dim3A, %gt3A_33 : vector<400x1xf32>
    %jit3A = arith.constant 0.000000e+00 : f32
    %broadcast_in_dim3A_35 = vector.shape_cast %gt3A_34 : vector<400x1xi1> to vector<400x1xi1>
    %broadcast_in_dim3A_36 = vector.broadcast %broadcast_in_dim3A_35 : vector<400x1xi1> to vector<400x128xi1>
    %broadcast_in_dim3A_37 = vector.broadcast %jit3A : f32 to vector<400x128xf32>
    %select_n3A = arith.select %broadcast_in_dim3A_36, %get3A_16, %broadcast_in_dim3A_37 : vector<400x128xi1>, vector<400x128xf32>
    %add3A_38 = arith.addf %mul3A_32, %select_n3A : vector<400x128xf32>
    %swap3A = arith.constant 0 : index
    %swap3A_39 = arith.constant 0 : index
    %swap3A_40 = vector.load %arg5[%swap3A, %swap3A_39] : memref<400x256xf32, #tpu.memory_space<vmem>>, vector<400x128xf32>
    tpu.vector_store %arg5[%swap3A, %swap3A_39], %get3A_1 {strides = array<i32>} : memref<400x256xf32, #tpu.memory_space<vmem>>, vector<400x128xf32>,
    %swap3A_41 = arith.constant 0 : index
    %swap3A_42 = arith.constant 128 : index
    %swap3A_43 = vector.load %arg5[%swap3A_41, %swap3A_42] : memref<400x256xf32, #tpu.memory_space<vmem>>, vector<400x128xf32>
    tpu.vector_store %arg5[%swap3A_41, %swap3A_42], %add3A_38 {strides = array<i32>} : memref<400x256xf32, #tpu.memory_space<vmem>>, vector<400x128xf32>,
    return
  }
  func.func @transform_0(%arg0: i32) -> (i32, i32) {
    %c0_i32 = arith.constant 0 : i32
    %c0_i32_0 = arith.constant 0 : i32
    return %arg0, %c0_i32 : i32, i32
  }
  func.func @transform_1(%arg0: i32) -> (i32, i32, i32) {
    %c8_i32 = arith.constant 8 : i32
    %c0_i32 = arith.constant 0 : i32
    %c0_i32_0 = arith.constant 0 : i32
    return %c8_i32, %arg0, %c0_i32 : i32, i32, i32
  }
  func.func @transform_2(%arg0: i32) -> (i32, i32, i32) {
    %c0_i32 = arith.constant 0 : i32
    %c0_i32_0 = arith.constant 0 : i32
    %c0_i32_1 = arith.constant 0 : i32
    return %c0_i32, %arg0, %c0_i32_0 : i32, i32, i32
  }
  func.func @transform_3(%arg0: i32) -> (i32, i32, i32) {
    %c0_i32 = arith.constant 0 : i32
    %c0_i32_0 = arith.constant 0 : i32
    %c0_i32_1 = arith.constant 0 : i32
    return %c0_i32, %arg0, %c0_i32_0 : i32, i32, i32
  }
  func.func @transform_4(%arg0: i32) -> (i32, i32) {
    %c0_i32 = arith.constant 0 : i32
    %c0_i32_0 = arith.constant 0 : i32
    return %arg0, %c0_i32 : i32, i32
  }
}

</mosaic_0001>

<sc_bundles>
// kernel: kernel.6.cloned.1.call-start
scs
__scs_entry_jumppad:
0x0: {  	(pc) =	sbr.rel $0x88, $3  }
0x1: {  	(tag) =	ssettag $0x0;
	lr =	simm.s32 $0x1  }
0x2: {  	[smem:$0x3F9B] =	sst lr;
	_ =	strace $0xD0000000  }
0x3: {  	_ = 	snop  }
0x4: {  	_ = 	snop  }
0x5: {  	_ = 	snop  }
0x6: {  	_ = 	snop  }
0x7: {  	_ = 	snop  }
__scs_overlays_trampoline_lowered:
0x8: {  	[smem:$0x3FAA] =	sst s0  }
0x9: {  	[smem:$0x3FAB] =	sst s1  }
0xa: {  	[smem:$0x3FAC] =	sst s2  }
0xb: {  	[smem:$0x3FAD] =	sst s3  }
0xc: {  	[smem:$0x3FAE] =	sst s4  }
0xd: {  	[smem:$0x3FAF] =	sst s5  }
0xe: {  	[smem:$0x3FB0] =	sst s6  }
0xf: {  	[smem:$0x3FB1] =	sst s7  }
0x10: {  	[smem:$0x3FB2] =	sst s8  }
0x11: {  	[smem:$0x3FB3] =	sst s9;
	s0 =	simm.s32 @!p0 $0x0  }
0x12: {  	s1 =	sld [smem:$0x3F99];
	s0 =	simm.s32 @p0 $0x1  }
0x13: {  	[smem:$0x3FB4] =	sst s0;
	s0 =	simm.s32 @!p1 $0x0  }
0x14: {  	s2 =	sld [smem:$0x3F98];
	s0 =	simm.s32 @p1 $0x1  }
0x15: {  	[smem:$0x3FB5] =	sst s0;
	s0 =	simm.s32 @!p2 $0x0  }
0x16: {  	s3 =	sld [smem:$0x3FDB];
	s0 =	simm.s32 @p2 $0x1  }
0x17: {  	s4 =	simm.s32 $0x1BF5;
	[smem:$0x3FB7] =	sst s0  }
0x18: {  	s0 =	sld [smem:$0x3F9A];
	_ =	swait.ge [sflag:s4], $0x0  }
0x19: {  	s7 =	sld [smem:$0x3F9B]  }
0x1a: {  	s8 =	sadd.s32 $0xFFFFE003, lr  }
0x1b: {  	s9 =	sadd.s32 $0xFFFFFEF7, lr;
	s5 =	simm.s32 $0xFFFFFFFF;
	p2 =	slt.u32 s8, $0xFFFFF086  }
0x1c: {  	p1 =	slt.u32 s9, $0xF7A;
	s5 =	simm.s32 @!p2 $0x0  }
0x1d: {  	s5 =	simm.s32 @p1 $0x1;
	p0 =	seq.s32 s7, s2  }
0x1e: {  	s7 =	smul.u32 @!p0 $0xF7A, s2;
	p2 =	seq.s32 @!p0 s5, $0x0  }
0x1f: {  	s9 =	smul.u32 $0xF7A, s1;
	s8 =	simm.s32 @!p0 $0x1BF5;
	p2 =	por !p2, p0  }
0x20: {  	[sflag:s8] =	ssyncset.s32 @!p0 $0xFFFFF086;
	s6 =	sadd.s32 @!p0 s3, s7;
	s7 =	simm.s32 @!p0 $0x108  }
0x21: {  	s3 =	sadd.s32 s3, s9;
	s6 =	sadd.s32 @!p0 $0x88, s6;
	s7 =	simm.s32 @p2 $0x1082  }
0x22: {  	[simem:s7], [sflag:s8] =	dma.local @!p0 [hbm:s6], $0xF7A  }
0x23: {  	s9 =	sor.u32 $0xD0000000, s2;
	s6 =	simm.s32 $0x108;
	_ =	swait.ge @!p0 [sflag:s8], $0x0  }
0x24: {  	s3 =	sadd.s32 $0x88, s3;
	s6 =	simm.s32 @!p1 $0x1082;
	[sflag:s4] =	ssyncset.s32 $0xFFFFF086  }
0x25: {  	[simem:s6], [sflag:s4] =	dma.local [hbm:s3], $0xF7A  }
0x26: {  	[smem:$0x3F9B] =	sst s1;
	(tag) =	ssettag s2;
	_ =	strace s9  }
0x27: {  	s1 =	sld [smem:$0x3FAB]  }
0x28: {  	s2 =	sld [smem:$0x3FAC]  }
0x29: {  	s4 =	sld [smem:$0x3FAE]  }
0x2a: {  	p0 =	seq.s32 s5, $0x0;
	s5 =	sld [smem:$0x3FAF]  }
0x2b: {  	s6 =	sld [smem:$0x3FB0]  }
0x2c: {  	s7 =	sld [smem:$0x3FB1]  }
0x2d: {  	s3 =	simm.s32 $0x108;
	s8 =	sld [smem:$0x3FB2]  }
0x2e: {  	s3 =	simm.s32 @!p0 $0x1082;
	s9 =	sld [smem:$0x3FB3]  }
0x2f: {  	lr =	sadd.s32 s0, s3;
	s0 =	sld [smem:$0x3FAA]  }
0x30: {  	s3 =	sld [smem:$0x3FAD]  }
0x31: {  	[smem:$0x3FB6] =	sst s10  }
0x32: {  	s10 =	sld [smem:$0x3FB4];
	_ =	sdelay $0x3  }
0x33: {  	p0 =	seq.s32 s10, $0x1;
	s10 =	sld [smem:$0x3FB6];
	_ =	sdelay $0x3  }
0x34: {  	[smem:$0x3FB6] =	sst s10  }
0x35: {  	s10 =	sld [smem:$0x3FB5];
	_ =	sdelay $0x3  }
0x36: {  	p1 =	seq.s32 s10, $0x1;
	s10 =	sld [smem:$0x3FB6];
	_ =	sdelay $0x3  }
0x37: {  	[smem:$0x3FB6] =	sst s10  }
0x38: {  	s10 =	sld [smem:$0x3FB7]  }
0x39: {  	_ = 	snop;
	(pc) =	sbr.ind lr, $3  }
0x3a: {  	_ = 	snop  }
0x3b: {  	_ = 	snop  }
0x3c: {  	p2 =	seq.s32 s10, $0x1;
	s10 =	sld [smem:$0x3FB6]  }
0x3d: {  	_ =	shalt  }
0x3e: {  	_ =	shalt  }
0x3f: {  	_ =	shalt  }
0x40: {  	_ =	shalt  }
0x41: {  	_ =	shalt  }
0x42: {  	_ =	shalt  }
0x43: {  	_ =	shalt  }
0x44: {  	_ =	shalt  }
0x45: {  	_ =	shalt  }
0x46: {  	_ =	shalt  }
0x47: {  	_ =	shalt  }
0x48: {  	_ =	shalt  }
0x49: {  	_ =	shalt  }
0x4a: {  	_ =	shalt  }
0x4b: {  	_ =	shalt  }
0x4c: {  	_ =	shalt  }
0x4d: {  	_ =	shalt  }
0x4e: {  	_ =	shalt  }
0x4f: {  	_ =	shalt  }
0x50: {  	_ =	shalt  }
0x51: {  	_ =	shalt  }
0x52: {  	_ =	shalt  }
0x53: {  	_ =	shalt  }
0x54: {  	_ =	shalt  }
0x55: {  	_ =	shalt  }
0x56: {  	_ =	shalt  }
0x57: {  	_ =	shalt  }
0x58: {  	_ =	shalt  }
0x59: {  	_ =	shalt  }
0x5a: {  	_ =	shalt  }
0x5b: {  	_ =	shalt  }
0x5c: {  	_ =	shalt  }
0x5d: {  	_ =	shalt  }
0x5e: {  	_ =	shalt  }
0x5f: {  	_ =	shalt  }
0x60: {  	_ =	shalt  }
0x61: {  	_ =	shalt  }
0x62: {  	_ =	shalt  }
0x63: {  	_ =	shalt  }
0x64: {  	_ =	shalt  }
0x65: {  	_ =	shalt  }
0x66: {  	_ =	shalt  }
0x67: {  	_ =	shalt  }
0x68: {  	_ =	shalt  }
0x69: {  	_ =	shalt  }
0x6a: {  	_ =	shalt  }
0x6b: {  	_ =	shalt  }
0x6c: {  	_ =	shalt  }
0x6d: {  	_ =	shalt  }
0x6e: {  	_ =	shalt  }
0x6f: {  	_ =	shalt  }
0x70: {  	_ =	shalt  }
0x71: {  	_ =	shalt  }
0x72: {  	_ =	shalt  }
0x73: {  	_ =	shalt  }
0x74: {  	_ =	shalt  }
0x75: {  	_ =	shalt  }
0x76: {  	_ =	shalt  }
0x77: {  	_ =	shalt  }
0x78: {  	_ =	shalt  }
0x79: {  	_ =	shalt  }
0x7a: {  	_ =	shalt  }
0x7b: {  	_ =	shalt  }
0x7c: {  	_ =	shalt  }
0x7d: {  	_ =	shalt  }
0x7e: {  	_ =	shalt  }
0x7f: {  	_ =	shalt  }
0x80: {  	_ =	shalt  }
0x81: {  	_ =	shalt  }
0x82: {  	_ =	shalt  }
0x83: {  	_ =	shalt  }
0x84: {  	_ =	shalt  }
0x85: {  	_ =	shalt  }
0x86: {  	_ =	shalt  }
0x87: {  	_ =	shalt  }
.Lfunc_end0:
.L_simem_size_0:
called_computation_lowered:
.L_overlay_start_0:
0x88: {  	s2 =	sld [smem:$0x3FD9]  }
0x89: {  	s3 =	sld [smem:$0x3FFE];
	_ =	sdelay $0x1  }
0x8a: {  	s1 =	srdreg.scid  }
0x8b: {  	s0 =	sand.u32 $0x1, s1  }
0x8c: {  	s16 =	sshll.u32 s0, $0xA;
	s2 =	sadd.s32 s3, s2  }
0x8d: {  	s2 =	sadd.s32 s2, s16  }
0x8e: {  	[smem:$0x3FC2] =	sst s2  }
0x8f: {  	_ = 	snop  }
0x90: {  	(tm) =	ssettm $0x1  }
0x91: {  	s17 =	sld [smem:$0x3FFB];
	_ =	sdelay $0x3  }
0x92: {  	_ =	strace s17  }
0x93: {  	s2 =	sld [smem:$0x3FFC];
	_ =	sdelay $0x3  }
0x94: {  	_ =	strace s2  }
0x95: {  	s2 =	sld [smem:$0x3FFD];
	_ =	sdelay $0x3  }
0x96: {  	_ =	strace s2  }
0x97: {  	_ =	strace $0x8FFFFFFF  }
0x98: {  	s18 =	sld [smem:$0x3FDB];
	_ =	sdelay $0x1  }
0x99: {  	s19 =	simm.s32 $_scs_section_size  }
0x9a: {  	s4 =	simm.s32 $_size__tile_overlayer_lowered;
	s5 =	simm.s32 $_tile_overlayer_lowered  }
0x9b: {  	s22 =	simm.s32 $0x1BFF;
	s21 =	sshll.u32 s5, $0x1;
	s2 =	sadd.s32 s19, s18  }
0x9c: {  	s6 =	simm.s32 $0x0;
	s20 =	sshll.u32 s4, $0x1;
	s4 =	sadd.s32 s21, s2  }
0x9d: {  	[timem:s6], [sflag:s22] =	dma.local [hbm:s4], s20  }
0x9e: {  	_ =	swait.ge [sflag:s22], s20  }
0x9f: {  	s3 =	ssub.s32 $0x0, s20;
	[sflag:s22] =	ssyncset.done $0x0  }
0xa0: {  	[sflag:s22] =	ssyncadd.s32 s3;
	_ =	sdelay $0x1  }
0xa1: {  	s23 =	simm.s32 $0x1B8B  }
0xa2: {  	_ =	swait.ge [sflag:s23], $0x1  }
0xa3: {  	[sflag:s23] =	ssyncset.done $0x0  }
0xa4: {  	s25 =	simm.s32 $0x1B8E;
	s24 =	sld [smem:$0x3FFE];
	[sflag:s23] =	ssyncadd.s32 $0xFFFFFFFF  }
0xa5: {  	s26 =	simm.s32 $execute0_lowered;
	[smem:$0x3FD2] =	sst s25  }
0xa6: {  	s4 =	sshll.u32 s26, $0x1;
	_ =	strace $0x80000046;
	[dreg:$0x1] =	wrdreg $0xFFFFFFFF  }
0xa7: {  	s28 =	simm.s32 $_size_execute0_lowered;
	s2 =	sadd.s32 s2, s4;
	[dreg:$0x0] =	wrdreg $0x0  }
0xa8: {  	s4 =	sshll.u32 s28, $0x1;
	[dreg:$0x2] =	wrdreg s2  }
0xa9: {  	[dreg:$0x3] =	wrdreg s4  }
0xaa: {  	[dreg:$0x4] =	wrdreg $0xC0  }
0xab: {  	_ =	task [dreg:s6], $0x5FFFF  }
0xac: {  	[dreg:$0x1] =	wrdreg $0xFFFFFFFF  }
0xad: {  	[dreg:$0x0] =	wrdreg $0x60  }
0xae: {  	[dreg:$0x2] =	wrdreg s24  }
0xaf: {  	[dreg:$0x3] =	wrdreg $0x30000  }
0xb0: {  	[dreg:$0x4] =	wrdreg $0x9  }
0xb1: {  	_ =	task.clear_ibuf [dreg:s6], $0x5FFFF;
	_ =	strace $0x90000046  }
0xb2: {  	s29 =	simm.s32 $0x9;
	_ =	strace $0x80000048  }
0xb3: {  	_ =	swait.ge [sflag:s29], $0x1  }
0xb4: {  	[sflag:s29] =	ssyncadd.s32 $0xFFFFFFFF  }
0xb5: {  	_ =	strace $0x90000048  }
0xb6: {  	_ =	sfence  }
0xb7: {  	s30 =	sld [smem:$0x0];
	_ =	sdelay $0x2  }
0xb8: {  	s31 =	sshll.u32 s1, $0xD;
	s1 =	sshrl.u32 s1, $0x2  }
0xb9: {  	s3 =	sand.u32 $0x4000, s31;
	s1 =	sadd.s32 s1, s30  }
0xba: {  	s0 =	sor.u32 s3, s0;
	s1 =	sshll.u32 s1, $0x11  }
0xbb: {  	s0 =	sor.u32 s1, s0  }
0xbc: {  	s0 =	sadd.s32 $0x8F2B, s0  }
0xbd: {  	[sflag:s0] =	ssyncadd.remote.s32 $0x1  }
0xbe: {  	_ =	sfence.sel $0xFFFF  }
0xbf: {  	[dreg:$0x0] =	wrdreg $0xFFFFFFFF;
	(pc) =	sbr.abs _section_cstart, $3  }
0xc0: {  	[dreg:$0x1] =	wrdreg $0xFFFFFFFF  }
0xc1: {  	_ =	task.clear_ibuf [dreg:s6], $0x2FFFF;
	_ =	strace $0x9FFFFFFF  }
0xc2: {  	(tm) =	ssettm $0x7FFFFFFF  }
0xc3: {  	_ =	shalt  }
tec
execute0_lowered:
.L_overlay_start_1:
0x0: {  	(tag) =	ssettag $0x1  }
0x1: {  	s6 =	rddreg [dreg:$0x0]  }
0x2: {  	s0 =	srdreg.scid;
	s2 =	rddreg [dreg:$0x1];
	s3 =	simm.s32 $0x0  }
0x3: {  	s13 =	simm.s32 $0x80;
	s5 =	sand.u32 $0x1, s0;
	s0 =	stileid.u32  }
0x4: {  	s14 =	simm.s32 $0x0;
	[smem:$0x7FF] =	sst s3;
	s7 =	smul.u32 $0x2780, s0  }
0x5: {  	s1 =	sshll.u32 s5, $0x4;
	s8 =	smul.u32 $0x27800, s5;
	s10 =	ssub.s32 $0x2, s5  }
0x6: {  	s5 =	sadd.s32 $0xB400, s6;
	s11 =	sshll.u32 s0, $0x6;
	s1 =	sor.u32 s0, s1  }
0x7: {  	s31 =	sshrl.u32 s10, $0x1;
	s11 =	sor.u32 $0x1C01, s11;
	s4 =	smul.u32 $0x500, s1  }
0x8: {  	s1 =	rddreg [dreg:$0x2];
	_ =	strace $0x80000047;
	s8 =	sadd.s32 s7, s8  }
0x9: {  	s10 =	ssub.s32 s10, s31;
	s12 =	sadd.s32 s7, s2;
	s8 =	sshrl.u32 s8, $0x3  }
0xa: {  	s12 =	sshrl.u32 s12, $0x3;
	s9 =	sadd.s32 s4, s6;
	s8 =	sadd.s32 s8, s6  }
0xb: {  	s4 =	sadd.s32 $0xB200, s6;
	s6 =	sadd.s32 $0x1200, s9;
	s7 =	sadd.s32 $0xBA00, s8  }
0xc: {  	s8 =	smax.u32 s10, $0x1;
	s9 =	simm.s32 $0x1;
	s10 =	simm.s32 $0x2800  }
.LBB2_1:
0xd: {  	[tilespmem:s3], [sflag:$0x1] =	stream.linear.gather [hbm4b:s6+s3], $0x2800, $0x38;
	[tilespmem:$0x5780] =	vst v63  }
0xe: {  	_ =	swait.ge [sflag:s9], $0x2800  }
0xf: {  	[sflag:s9] =	ssyncset.done $0x0  }
0x10: {  	[sflag:s9] =	ssyncadd.s32 $0xFFFFD800  }
0x11: {  	[tilespmem:s10], [sflag:$0x1] =	stream.linear.gather [hbm4b:s4+s3], $0x800, $0x38;
	[tilespmem:$0x5780] =	vst v63  }
0x12: {  	_ =	swait.ge [sflag:s9], $0x800  }
0x13: {  	[sflag:s9] =	ssyncset.done $0x0  }
0x14: {  	[sflag:s9] =	ssyncadd.s32 $0xFFFFF800  }
0x15: {  	[spmem:s12], [sflag:s11] =	dma.local [hbm:s5], $0x4F0  }
0x16: {  	_ =	swait.ge [sflag:s9], $0x4F0  }
0x17: {  	[sflag:s9] =	ssyncset.done $0x0  }
0x18: {  	[sflag:s9] =	ssyncadd.s32 $0xFFFFFB10  }
0x19: {  	s15 =	simm.s32 $0x0;
	[bflag:$0x0] =	sbarrier.arrive $0xFFFF  }
0x1a: {  	[spmem:s2] =	stream.indirect.scatter.add.f32 [tilespmem:s10], [sflag:$0x1], $0x10, s15, s13, $0xb8;
	[tilespmem:$0x5780] =	vst v63  }
0x1b: {  	_ =	swait.ge [sflag:s9], $0x800  }
0x1c: {  	s15 =	simm.s32 $0x200;
	[sflag:s9] =	ssyncset.done $0x0  }
.LBB2_2:
0x1d: {  	s16 =	sshra.s32 s15, $0x2;
	[sflag:s9] =	ssyncadd.s32 $0xFFFFF800;
	p0 =	sne.s32 s15, $0x9E00  }
0x1e: {  	[spmem:s2] =	stream.indirect.scatter.add.f32 [tilespmem:s10], [sflag:$0x1], $0x10, s16, s13, $0xb8;
	[tilespmem:$0x5780] =	vst v63  }
.Ltmp0:
0x1f: {  	_ = 	snop;
	(pc) =	sbr.rel @p0 .LBB2_2-.Ltmp0, $4  }
0x20: {  	_ = 	snop  }
0x21: {  	s15 =	sadd.s32 $0x200, s15  }
0x22: {  	_ =	swait.ge [sflag:s9], $0x800  }
0x23: {  	[sflag:s9] =	ssyncset.done $0x0  }
0x24: {  	s14 =	sadd.s32 $0x1, s14  }
0x25: {  	[sflag:s9] =	ssyncadd.s32 $0xFFFFF800;
	p0 =	sne.s32 s14, s8  }
.Ltmp1:
0x26: {  	[bflag:$0x0] =	sbarrier.arrive $0xFFFF;
	(pc) =	sbr.rel @p0 .LBB2_1-.Ltmp1, $4  }
0x27: {  	[hbm:s7], [sflag:s11] =	dma.local [spmem:s12], $0x4F0  }
0x28: {  	_ =	swait.ge [sflag:s9], $0x4F0  }
0x29: {  	[sflag:s9] =	ssyncset.done $0x0  }
0x2a: {  	[sflag:s9] =	ssyncadd.s32 $0xFFFFFB10  }
0x2b: {  	_ =	sfence.sel $0x180000  }
0x2c: {  	[bflag:$0x0] =	sbarrier.arrive $0xFFFF  }
0x2d: {  	p0 =	sne.s32 s0, $0x0;
	_ =	strace $0x90000047  }
0x2e: {  	s0 =	sadd.s32 @!p0 $0x100000, s1;
	[bflag:$0x2] =	sbarrier.arrive $0xFFFF  }
0x2f: {  	[sflag:s0] =	ssyncadd.tile.s32 @!p0 $0x1;
	_ =	shalt  }
.Lfunc_end2:
_tile_overlayer_lowered:
.L_overlay_start_2:
0x30: {  	(tag) =	ssettag $0x2  }
0x31: {  	s0 =	rddreg [dreg:$0x0];
	s2 =	stileid.u32  }
0x32: {  	s1 =	rddreg [dreg:$0x1];
	p0 =	sne.s32 s2, $0x0  }
0x33: {  	s3 =	rddreg [dreg:$0x2];
	[bflag:$0x3] =	sbarrier.arrive $0xFFFF;
	s2 =	simm.s32 @!p0 $0x1C01  }
0x34: {  	[timem:s3], [sflag:s2] =	dma.local @!p0 [hbm:s0], s1  }
0x35: {  	s0 =	simm.s32 @!p0 $0x1  }
0x36: {  	_ =	swait.ge @!p0 [sflag:s0], s1  }
0x37: {  	s1 =	ssub.s32 @!p0 $0x0, s1;
	[sflag:s0] =	ssyncset.done @!p0 $0x0  }
0x38: {  	[sflag:s0] =	ssyncadd.s32 @!p0 s1  }
0x39: {  	[bflag:$0x3] =	sbarrier.arrive $0xFFFF  }
0x3a: {  	_ =	shalt  }

// kernel: kernel.9.cloned.1.call-start
scs
__scs_entry_jumppad:
0x0: {  	(pc) =	sbr.rel $0x88, $3  }
0x1: {  	(tag) =	ssettag $0x0;
	lr =	simm.s32 $0x1  }
0x2: {  	[smem:$0x3F9B] =	sst lr;
	_ =	strace $0xD0000000  }
0x3: {  	_ = 	snop  }
0x4: {  	_ = 	snop  }
0x5: {  	_ = 	snop  }
0x6: {  	_ = 	snop  }
0x7: {  	_ = 	snop  }
__scs_overlays_trampoline_lowered:
0x8: {  	[smem:$0x3FAA] =	sst s0  }
0x9: {  	[smem:$0x3FAB] =	sst s1  }
0xa: {  	[smem:$0x3FAC] =	sst s2  }
0xb: {  	[smem:$0x3FAD] =	sst s3  }
0xc: {  	[smem:$0x3FAE] =	sst s4  }
0xd: {  	[smem:$0x3FAF] =	sst s5  }
0xe: {  	[smem:$0x3FB0] =	sst s6  }
0xf: {  	[smem:$0x3FB1] =	sst s7  }
0x10: {  	[smem:$0x3FB2] =	sst s8  }
0x11: {  	[smem:$0x3FB3] =	sst s9;
	s0 =	simm.s32 @!p0 $0x0  }
0x12: {  	s1 =	sld [smem:$0x3F99];
	s0 =	simm.s32 @p0 $0x1  }
0x13: {  	[smem:$0x3FB4] =	sst s0;
	s0 =	simm.s32 @!p1 $0x0  }
0x14: {  	s2 =	sld [smem:$0x3F98];
	s0 =	simm.s32 @p1 $0x1  }
0x15: {  	[smem:$0x3FB5] =	sst s0;
	s0 =	simm.s32 @!p2 $0x0  }
0x16: {  	s3 =	sld [smem:$0x3FDB];
	s0 =	simm.s32 @p2 $0x1  }
0x17: {  	s4 =	simm.s32 $0x1BF5;
	[smem:$0x3FB7] =	sst s0  }
0x18: {  	s0 =	sld [smem:$0x3F9A];
	_ =	swait.ge [sflag:s4], $0x0  }
0x19: {  	s7 =	sld [smem:$0x3F9B]  }
0x1a: {  	s8 =	sadd.s32 $0xFFFFE003, lr  }
0x1b: {  	s9 =	sadd.s32 $0xFFFFFEF7, lr;
	s5 =	simm.s32 $0xFFFFFFFF;
	p2 =	slt.u32 s8, $0xFFFFF086  }
0x1c: {  	p1 =	slt.u32 s9, $0xF7A;
	s5 =	simm.s32 @!p2 $0x0  }
0x1d: {  	s5 =	simm.s32 @p1 $0x1;
	p0 =	seq.s32 s7, s2  }
0x1e: {  	s7 =	smul.u32 @!p0 $0xF7A, s2;
	p2 =	seq.s32 @!p0 s5, $0x0  }
0x1f: {  	s9 =	smul.u32 $0xF7A, s1;
	s8 =	simm.s32 @!p0 $0x1BF5;
	p2 =	por !p2, p0  }
0x20: {  	[sflag:s8] =	ssyncset.s32 @!p0 $0xFFFFF086;
	s6 =	sadd.s32 @!p0 s3, s7;
	s7 =	simm.s32 @!p0 $0x108  }
0x21: {  	s3 =	sadd.s32 s3, s9;
	s6 =	sadd.s32 @!p0 $0x88, s6;
	s7 =	simm.s32 @p2 $0x1082  }
0x22: {  	[simem:s7], [sflag:s8] =	dma.local @!p0 [hbm:s6], $0xF7A  }
0x23: {  	s9 =	sor.u32 $0xD0000000, s2;
	s6 =	simm.s32 $0x108;
	_ =	swait.ge @!p0 [sflag:s8], $0x0  }
0x24: {  	s3 =	sadd.s32 $0x88, s3;
	s6 =	simm.s32 @!p1 $0x1082;
	[sflag:s4] =	ssyncset.s32 $0xFFFFF086  }
0x25: {  	[simem:s6], [sflag:s4] =	dma.local [hbm:s3], $0xF7A  }
0x26: {  	[smem:$0x3F9B] =	sst s1;
	(tag) =	ssettag s2;
	_ =	strace s9  }
0x27: {  	s1 =	sld [smem:$0x3FAB]  }
0x28: {  	s2 =	sld [smem:$0x3FAC]  }
0x29: {  	s4 =	sld [smem:$0x3FAE]  }
0x2a: {  	p0 =	seq.s32 s5, $0x0;
	s5 =	sld [smem:$0x3FAF]  }
0x2b: {  	s6 =	sld [smem:$0x3FB0]  }
0x2c: {  	s7 =	sld [smem:$0x3FB1]  }
0x2d: {  	s3 =	simm.s32 $0x108;
	s8 =	sld [smem:$0x3FB2]  }
0x2e: {  	s3 =	simm.s32 @!p0 $0x1082;
	s9 =	sld [smem:$0x3FB3]  }
0x2f: {  	lr =	sadd.s32 s0, s3;
	s0 =	sld [smem:$0x3FAA]  }
0x30: {  	s3 =	sld [smem:$0x3FAD]  }
0x31: {  	[smem:$0x3FB6] =	sst s10  }
0x32: {  	s10 =	sld [smem:$0x3FB4];
	_ =	sdelay $0x3  }
0x33: {  	p0 =	seq.s32 s10, $0x1;
	s10 =	sld [smem:$0x3FB6];
	_ =	sdelay $0x3  }
0x34: {  	[smem:$0x3FB6] =	sst s10  }
0x35: {  	s10 =	sld [smem:$0x3FB5];
	_ =	sdelay $0x3  }
0x36: {  	p1 =	seq.s32 s10, $0x1;
	s10 =	sld [smem:$0x3FB6];
	_ =	sdelay $0x3  }
0x37: {  	[smem:$0x3FB6] =	sst s10  }
0x38: {  	s10 =	sld [smem:$0x3FB7]  }
0x39: {  	_ = 	snop;
	(pc) =	sbr.ind lr, $3  }
0x3a: {  	_ = 	snop  }
0x3b: {  	_ = 	snop  }
0x3c: {  	p2 =	seq.s32 s10, $0x1;
	s10 =	sld [smem:$0x3FB6]  }
0x3d: {  	_ =	shalt  }
0x3e: {  	_ =	shalt  }
0x3f: {  	_ =	shalt  }
0x40: {  	_ =	shalt  }
0x41: {  	_ =	shalt  }
0x42: {  	_ =	shalt  }
0x43: {  	_ =	shalt  }
0x44: {  	_ =	shalt  }
0x45: {  	_ =	shalt  }
0x46: {  	_ =	shalt  }
0x47: {  	_ =	shalt  }
0x48: {  	_ =	shalt  }
0x49: {  	_ =	shalt  }
0x4a: {  	_ =	shalt  }
0x4b: {  	_ =	shalt  }
0x4c: {  	_ =	shalt  }
0x4d: {  	_ =	shalt  }
0x4e: {  	_ =	shalt  }
0x4f: {  	_ =	shalt  }
0x50: {  	_ =	shalt  }
0x51: {  	_ =	shalt  }
0x52: {  	_ =	shalt  }
0x53: {  	_ =	shalt  }
0x54: {  	_ =	shalt  }
0x55: {  	_ =	shalt  }
0x56: {  	_ =	shalt  }
0x57: {  	_ =	shalt  }
0x58: {  	_ =	shalt  }
0x59: {  	_ =	shalt  }
0x5a: {  	_ =	shalt  }
0x5b: {  	_ =	shalt  }
0x5c: {  	_ =	shalt  }
0x5d: {  	_ =	shalt  }
0x5e: {  	_ =	shalt  }
0x5f: {  	_ =	shalt  }
0x60: {  	_ =	shalt  }
0x61: {  	_ =	shalt  }
0x62: {  	_ =	shalt  }
0x63: {  	_ =	shalt  }
0x64: {  	_ =	shalt  }
0x65: {  	_ =	shalt  }
0x66: {  	_ =	shalt  }
0x67: {  	_ =	shalt  }
0x68: {  	_ =	shalt  }
0x69: {  	_ =	shalt  }
0x6a: {  	_ =	shalt  }
0x6b: {  	_ =	shalt  }
0x6c: {  	_ =	shalt  }
0x6d: {  	_ =	shalt  }
0x6e: {  	_ =	shalt  }
0x6f: {  	_ =	shalt  }
0x70: {  	_ =	shalt  }
0x71: {  	_ =	shalt  }
0x72: {  	_ =	shalt  }
0x73: {  	_ =	shalt  }
0x74: {  	_ =	shalt  }
0x75: {  	_ =	shalt  }
0x76: {  	_ =	shalt  }
0x77: {  	_ =	shalt  }
0x78: {  	_ =	shalt  }
0x79: {  	_ =	shalt  }
0x7a: {  	_ =	shalt  }
0x7b: {  	_ =	shalt  }
0x7c: {  	_ =	shalt  }
0x7d: {  	_ =	shalt  }
0x7e: {  	_ =	shalt  }
0x7f: {  	_ =	shalt  }
0x80: {  	_ =	shalt  }
0x81: {  	_ =	shalt  }
0x82: {  	_ =	shalt  }
0x83: {  	_ =	shalt  }
0x84: {  	_ =	shalt  }
0x85: {  	_ =	shalt  }
0x86: {  	_ =	shalt  }
0x87: {  	_ =	shalt  }
.Lfunc_end0:
.L_simem_size_0:
called_computation.1_lowered:
.L_overlay_start_0:
0x88: {  	s2 =	sld [smem:$0x3FD9]  }
0x89: {  	s3 =	sld [smem:$0x3FFE];
	_ =	sdelay $0x1  }
0x8a: {  	s1 =	srdreg.scid  }
0x8b: {  	s0 =	sand.u32 $0x1, s1  }
0x8c: {  	s17 =	sshll.u32 s0, $0xA;
	s2 =	sadd.s32 s3, s2  }
0x8d: {  	s2 =	sadd.s32 s2, s17  }
0x8e: {  	[smem:$0x3FC2] =	sst s2  }
0x8f: {  	_ = 	snop  }
0x90: {  	s18 =	sld [smem:$0x3FD0];
	(tm) =	ssettm $0x1  }
0x91: {  	s19 =	sld [smem:$0x3FFB];
	_ =	sdelay $0x3  }
0x92: {  	_ =	strace s19  }
0x93: {  	s2 =	sld [smem:$0x3FFC];
	_ =	sdelay $0x3  }
0x94: {  	_ =	strace s2  }
0x95: {  	s2 =	sld [smem:$0x3FFD];
	_ =	sdelay $0x3  }
0x96: {  	_ =	strace s2  }
0x97: {  	_ =	strace $0x8FFFFFFF  }
0x98: {  	s20 =	sld [smem:$0x3FDB];
	_ =	sdelay $0x1  }
0x99: {  	s4 =	simm.s32 $_scs_section_size  }
0x9a: {  	s5 =	simm.s32 $_size__tile_overlayer_lowered;
	s6 =	simm.s32 $_tile_overlayer_lowered  }
0x9b: {  	s7 =	simm.s32 $0x1BFF;
	s21 =	sshll.u32 s6, $0x1;
	s4 =	sadd.s32 s4, s20  }
0x9c: {  	s22 =	simm.s32 $0x0;
	s5 =	sshll.u32 s5, $0x1;
	s6 =	sadd.s32 s21, s4  }
0x9d: {  	[timem:s22], [sflag:s7] =	dma.local [hbm:s6], s5  }
0x9e: {  	_ =	swait.ge [sflag:s7], s5  }
0x9f: {  	s5 =	ssub.s32 $0x0, s5;
	[sflag:s7] =	ssyncset.done $0x0  }
0xa0: {  	[sflag:s7] =	ssyncadd.s32 s5;
	_ =	sdelay $0x1  }
0xa1: {  	s23 =	simm.s32 $0x1B8B  }
0xa2: {  	_ =	swait.ge [sflag:s23], $0x1  }
0xa3: {  	[sflag:s23] =	ssyncset.done $0x0  }
0xa4: {  	[sflag:s23] =	ssyncadd.s32 $0xFFFFFFFF  }
0xa5: {  	s5 =	sld [smem:$0x0]  }
0xa6: {  	s6 =	sand.u32 $0xFFFFFFFE, s1  }
0xa7: {  	p0 =	sne.s32 s1, s6  }
0xa8: {  	s6 =	sshll.u32 @p0 s6, $0xE  }
0xa9: {  	s6 =	sadd.s32 @p0 $0x11B8D, s6;
	s7 =	sshll.u32 @p0 s5, $0x11  }
0xaa: {  	s6 =	sor.u32 @p0 s7, s6  }
0xab: {  	[sflag:s6] =	ssyncadd.remote.s32 @p0 $0x1;
	_ =	sdelay $0x1  }
0xac: {  	s6 =	simm.s32 @p0 $0x1B8D  }
0xad: {  	_ =	swait.eq @p0 [sflag:s6], $0x1  }
0xae: {  	[sflag:s6] =	ssyncadd.s32 @p0 $0xFFFFFFFF  }
0xaf: {  	s7 =	sshll.u32 @!p0 s1, $0xE  }
0xb0: {  	s7 =	sor.u32 @!p0 $0x4000, s7;
	s6 =	simm.s32 @!p0 $0x1B8D  }
0xb1: {  	s5 =	sshll.u32 @!p0 s5, $0x11;
	s7 =	sadd.s32 @!p0 $0x11B8D, s7;
	_ =	swait.eq @!p0 [sflag:s6], $0x1  }
0xb2: {  	s5 =	sor.u32 @!p0 s5, s7;
	[sflag:s6] =	ssyncadd.s32 @!p0 $0xFFFFFFFF  }
0xb3: {  	s25 =	simm.s32 $0x1B8E;
	s24 =	sld [smem:$0x3FFE];
	[sflag:s5] =	ssyncadd.remote.s32 @!p0 $0x1  }
0xb4: {  	s26 =	simm.s32 $execute0_lowered;
	[smem:$0x3FD2] =	sst s25  }
0xb5: {  	s6 =	sshll.u32 s26, $0x1;
	_ =	strace $0x80000049;
	[dreg:$0x1] =	wrdreg $0xFFFFFFFF  }
0xb6: {  	s28 =	simm.s32 $_size_execute0_lowered;
	s4 =	sadd.s32 s4, s6;
	[dreg:$0x0] =	wrdreg $0x0  }
0xb7: {  	s6 =	sshll.u32 s28, $0x1;
	[dreg:$0x2] =	wrdreg s4  }
0xb8: {  	[dreg:$0x3] =	wrdreg s6  }
0xb9: {  	[dreg:$0x4] =	wrdreg $0xC0  }
0xba: {  	_ =	task [dreg:s22], $0x5FFFF  }
0xbb: {  	[dreg:$0x1] =	wrdreg $0xFFFFFFFF  }
0xbc: {  	[dreg:$0x0] =	wrdreg $0x60  }
0xbd: {  	[dreg:$0x2] =	wrdreg s24  }
0xbe: {  	[dreg:$0x3] =	wrdreg s18  }
0xbf: {  	[dreg:$0x4] =	wrdreg $0x120000  }
0xc0: {  	[dreg:$0x5] =	wrdreg $0xA  }
0xc1: {  	_ =	task.clear_ibuf [dreg:s22], $0x6FFFF;
	_ =	strace $0x90000049  }
0xc2: {  	s29 =	simm.s32 $0xA;
	_ =	strace $0x8000004B  }
0xc3: {  	_ =	swait.ge [sflag:s29], $0x1  }
0xc4: {  	[sflag:s29] =	ssyncadd.s32 $0xFFFFFFFF  }
0xc5: {  	_ =	strace $0x9000004B  }
0xc6: {  	_ =	sfence  }
0xc7: {  	s30 =	sld [smem:$0x0];
	_ =	sdelay $0x2  }
0xc8: {  	s31 =	sshll.u32 s1, $0xD;
	s1 =	sshrl.u32 s1, $0x2  }
0xc9: {  	s4 =	sand.u32 $0x4000, s31;
	s1 =	sadd.s32 s1, s30  }
0xca: {  	s0 =	sor.u32 s4, s0;
	s1 =	sshll.u32 s1, $0x11  }
0xcb: {  	s0 =	sor.u32 s1, s0  }
0xcc: {  	s0 =	sadd.s32 $0x8F2B, s0  }
0xcd: {  	[sflag:s0] =	ssyncadd.remote.s32 $0x1  }
0xce: {  	_ =	sfence.sel $0xFFFF  }
0xcf: {  	[dreg:$0x0] =	wrdreg $0xFFFFFFFF;
	(pc) =	sbr.abs _section_cstart, $3  }
0xd0: {  	[dreg:$0x1] =	wrdreg $0xFFFFFFFF  }
0xd1: {  	_ =	task.clear_ibuf [dreg:s22], $0x2FFFF;
	_ =	strace $0x9FFFFFFF  }
0xd2: {  	(tm) =	ssettm $0x7FFFFFFF  }
0xd3: {  	_ =	shalt  }
tec
execute0_lowered:
.L_overlay_start_1:
0x0: {  	(tag) =	ssettag $0x1  }
0x1: {  	s5 =	rddreg [dreg:$0x0]  }
0x2: {  	s8 =	rddreg [dreg:$0x1]  }
0x3: {  	s2 =	rddreg [dreg:$0x2]  }
0x4: {  	s0 =	rddreg [dreg:$0x3];
	s1 =	stileid.u32  }
0x5: {  	s3 =	simm.s32 $0x0;
	s4 =	srdreg.scid;
	s6 =	smul.u32 $0xA00, s1  }
0x6: {  	[smem:$0x7FF] =	sst s3;
	s12 =	sand.u32 $0x1, s4;
	s9 =	smul.u32 $0x9E00, s1  }
0x7: {  	s4 =	sadd.s32 $0x1F800, s5;
	s31 =	sshll.u32 s1, $0x6;
	_ =	strace $0x8000004A  }
0x8: {  	s7 =	ssub.s32 $0x2, s12;
	s10 =	smul.u32 $0x9E000, s12;
	v0 =	vmov s12;
	s12 =	sor.u32 $0x1C09, s31  }
0x9: {  	s11 =	sadd.s32 s6, s5;
	s30 =	sshrl.u32 s7, $0x1;
	s5 =	sadd.s32 $0x17F200, s5  }
0xa: {  	s14 =	sadd.s32 s9, s2;
	s13 =	ssub.s32 s7, s30;
	s10 =	sadd.s32 s9, s10  }
0xb: {  	s6 =	sadd.s32 $0x15800, s11;
	s7 =	sadd.s32 $0x1200, s11;
	s11 =	simm.s32 $0x5000  }
0xc: {  	s10 =	sshrl.u32 s10, $0x3;
	s9 =	smax.u32 s13, $0x1;
	s13 =	sshrl.u32 s14, $0x3  }
0xd: {  	s14 =	simm.s32 $0x0;
	s8 =	sadd.s32 s8, s10;
	s10 =	simm.s32 $0x9  }
.LBB2_1:
0xe: {  	[tilespmem:s3], [sflag:$0x9] =	stream.linear.gather [hbm4b:s6+s3], $0x5000, $0x38;
	[tilespmem:$0x1BE00] =	vst v63  }
0xf: {  	_ =	swait.ge [sflag:s10], $0x5000  }
0x10: {  	[sflag:s10] =	ssyncset.done $0x0  }
0x11: {  	[sflag:s10] =	ssyncadd.s32 $0xFFFFB000  }
0x12: {  	[tilespmem:s11], [sflag:$0x9] =	stream.linear.gather [hbm4b:s7+s3], $0x5000, $0x38;
	[tilespmem:$0x1BE00] =	vst v63  }
0x13: {  	_ =	swait.ge [sflag:s10], $0x5000  }
0x14: {  	[sflag:s10] =	ssyncset.done $0x0  }
0x15: {  	[sflag:s10] =	ssyncadd.s32 $0xFFFFB000  }
0x16: {  	[spmem:s13], [sflag:s12] =	dma.local [hbm:s5], $0x13C0  }
0x17: {  	_ =	swait.ge [sflag:s10], $0x13C0  }
0x18: {  	[sflag:s10] =	ssyncset.done $0x0  }
0x19: {  	s15 =	simm.s32 $0x0;
	s16 =	simm.s32 $0x40;
	[sflag:s10] =	ssyncadd.s32 $0xFFFFEC40  }
.LBB2_2:
0x1a: {  	p0 =	sne.s32 s16, $0x13FC0;
	v1 =	vld [tilespmem:s15+$0x0];
	_ =	sdelay $0x2  }
.Ltmp0:
0x1b: {  	(pc) =	sbr.rel @p0 .LBB2_2-.Ltmp0, $4  }
0x1c: {  	_ = 	snop  }
0x1d: {  	v1 =	vshll.u32 v1, $0x1  }
0x1e: {  	v1 =	vor.u32 v0, v1  }
0x1f: {  	[tilespmem:s15+$0x0] =	vst v1;
	s15 =	sshra.s32 s16, $0x2;
	s16 =	sadd.s32 $0x40, s16  }
0x20: {  	v1 =	vld [tilespmem:s15+$0x0];
	_ =	sdelay $0x4  }
0x21: {  	v1 =	vshll.u32 v1, $0x1  }
0x22: {  	p0 =	por $0x1, $0x1;
	v1 =	vor.u32 v0, v1  }
0x23: {  	p1 =	por p0, p0;
	[tilespmem:s15+$0x0] =	vst v1  }
0x24: {  	s15 =	simm.s32 @!p1 $0x5;
	[bflag:$0x0] =	sbarrier.arrive $0xFFFF  }
0x25: {  	_ =	swait.ge @!p1 [sflag:s15], $0x2000  }
0x26: {  	p0 =	por $0x0, $0x0;
	[sflag:s15] =	ssyncset.done @!p1 $0x0  }
0x27: {  	s17 =	simm.s32 @!p0 $0xA000;
	[sflag:s15] =	ssyncadd.s32 @!p1 $0xFFFFE000;
	p1 =	por $0x1, $0x1  }
0x28: {  	s18 =	simm.s32 @!p0 $0x80;
	s15 =	simm.s32 @!p0 $0x0;
	s16 =	simm.s32 @!p1 $0x2  }
0x29: {  	[tilespmem:s17], [sflag:$0x1] =	stream.indirect.gather @!p0 [hbm4b:s4+s18], $0x40, s15, s18, $0xb8;
	[tilespmem:$0x1BE00] =	vst v63  }
0x2a: {  	_ =	swait.ge @!p1 [sflag:s16], $0x2000  }
0x2b: {  	s15 =	simm.s32 @!p1 $0xC000;
	s19 =	simm.s32 @!p1 $0x4E80;
	[sflag:s16] =	ssyncset.done @!p1 $0x0  }
0x2c: {  	s20 =	simm.s32 @!p1 $0x80;
	[sflag:s16] =	ssyncadd.s32 @!p1 $0xFFFFE000;
	s16 =	simm.s32 @!p1 $0x6  }
0x2d: {  	[spmem:s2] =	stream.indirect.scatter.add.f32 @!p1 [tilespmem:s15], [sflag:$0x6], $0x40, s19, s20, $0xb8;
	[tilespmem:$0x1BE00] =	vst v63  }
0x2e: {  	_ =	swait.ge @!p1 [sflag:s16], $0x2000  }
0x2f: {  	p2 =	por $0x1, $0x1;
	s15 =	simm.s32 @!p0 $0x80;
	[sflag:s16] =	ssyncset.done @!p1 $0x0  }
0x30: {  	s19 =	simm.s32 @!p0 $0xC000;
	[sflag:s16] =	ssyncadd.s32 @!p1 $0xFFFFE000;
	s16 =	simm.s32 @!p2 $0x3  }
0x31: {  	[tilespmem:s19], [sflag:$0x2] =	stream.indirect.gather @!p0 [hbm4b:s4+s18], $0x40, s15, s18, $0xb8;
	[tilespmem:$0x1BE00] =	vst v63  }
0x32: {  	_ =	swait.ge @!p2 [sflag:s16], $0x2000  }
0x33: {  	s20 =	simm.s32 @!p2 $0xE000;
	s15 =	simm.s32 @!p2 $0x4F00;
	[sflag:s16] =	ssyncset.done @!p2 $0x0  }
0x34: {  	s19 =	simm.s32 @!p2 $0x80;
	[sflag:s16] =	ssyncadd.s32 @!p2 $0xFFFFE000;
	s16 =	simm.s32 @!p2 $0x7  }
0x35: {  	[spmem:s2] =	stream.indirect.scatter.add.f32 @!p2 [tilespmem:s20], [sflag:$0x7], $0x40, s15, s19, $0xb8;
	[tilespmem:$0x1BE00] =	vst v63  }
0x36: {  	_ =	swait.ge @!p2 [sflag:s16], $0x2000  }
0x37: {  	p1 =	por $0x1, $0x1;
	s15 =	simm.s32 @!p0 $0x100;
	[sflag:s16] =	ssyncset.done @!p2 $0x0  }
0x38: {  	s19 =	simm.s32 @!p0 $0xE000;
	[sflag:s16] =	ssyncadd.s32 @!p2 $0xFFFFE000;
	s16 =	simm.s32 @!p1 $0x4  }
0x39: {  	[tilespmem:s19], [sflag:$0x3] =	stream.indirect.gather @!p0 [hbm4b:s4+s18], $0x40, s15, s18, $0xb8;
	[tilespmem:$0x1BE00] =	vst v63  }
0x3a: {  	p6 =	por $0x0, $0x0;
	_ =	swait.ge @!p1 [sflag:s16], $0x2000  }
0x3b: {  	s21 =	simm.s32 @!p1 $0x10000;
	s23 =	simm.s32 @!p1 $0x8;
	[sflag:s16] =	ssyncset.done @!p1 $0x0  }
0x3c: {  	s20 =	simm.s32 @!p1 $0x80;
	s19 =	simm.s32 @!p1 $0x4F80;
	[sflag:s16] =	ssyncadd.s32 @!p1 $0xFFFFE000  }
0x3d: {  	[spmem:s2] =	stream.indirect.scatter.add.f32 @!p1 [tilespmem:s21], [sflag:$0x8], $0x40, s19, s20, $0xb8;
	[tilespmem:$0x1BE00] =	vst v63  }
0x3e: {  	p3 =	por p6, p6;
	s22 =	simm.s32 @!p0 $0x5000;
	_ =	swait.ge @!p1 [sflag:s23], $0x2000  }
0x3f: {  	s15 =	simm.s32 $0x800;
	s19 =	simm.s32 @!p0 $0x180;
	[sflag:s23] =	ssyncset.done @!p1 $0x0  }
0x40: {  	s20 =	simm.s32 @!p0 $0x10000;
	[sflag:s23] =	ssyncadd.s32 @!p1 $0xFFFFE000;
	s23 =	simm.s32 @!p0 $0x1  }
0x41: {  	[tilespmem:s20], [sflag:$0x4] =	stream.indirect.gather @!p0 [hbm4b:s4+s18], $0x40, s19, s18, $0xb8;
	[tilespmem:$0x1BE00] =	vst v63  }
0x42: {  	s16 =	simm.s32 $0x0;
	s21 =	simm.s32 $0x4;
	_ =	swait.ge @!p0 [sflag:s23], $0x2000  }
0x43: {  	s20 =	simm.s32 $0x1000;
	s19 =	simm.s32 $0x1;
	[sflag:s23] =	ssyncset.done @!p0 $0x0  }
.LBB2_4:
0x44: {  	p1 =	sgt.u32 s21, $0x9F  }
0x45: {  	s24 =	simm.s32 @!p3 $0x5;
	[sflag:s23] =	ssyncadd.s32 @!p0 $0xFFFFE000;
	s23 =	smov.u32 s20  }
0x46: {  	[spmem:s2] =	stream.indirect.scatter.add.f32 @!p0 [tilespmem:s17], [sflag:$0x5], $0x40, s22, s18, $0xb8;
	[tilespmem:$0x1BE00] =	vst v63  }
0x47: {  	s18 =	sadd.s32 $0x1, s16;
	s17 =	sadd.s32 $0x2, s16;
	_ =	swait.ge @!p3 [sflag:s24], $0x2000  }
0x48: {  	p0 =	sgt.u32 s19, $0x27;
	p2 =	sgt.u32 s17, $0x9F;
	[sflag:s24] =	ssyncset.done @!p3 $0x0  }
0x49: {  	s17 =	simm.s32 @!p0 $0xA000;
	[sflag:s24] =	ssyncadd.s32 @!p3 $0xFFFFE000;
	p3 =	sgt.u32 s18, $0x9F  }
0x4a: {  	s22 =	sshra.s32 @!p0 s15, $0x2;
	s18 =	simm.s32 @!p0 $0x80;
	s24 =	simm.s32 @!p3 $0x2  }
0x4b: {  	[tilespmem:s17], [sflag:$0x1] =	stream.indirect.gather @!p0 [hbm4b:s4+s18], $0x40, s22, s18, $0xb8;
	[tilespmem:$0x1BE00] =	vst v63  }
0x4c: {  	s25 =	sshra.s32 @!p3 s15, $0x2;
	s26 =	simm.s32 @!p3 $0xC000;
	_ =	swait.ge @!p3 [sflag:s24], $0x2000  }
0x4d: {  	s28 =	simm.s32 @!p3 $0x80;
	s25 =	sadd.s32 @!p3 $0x4E80, s25;
	[sflag:s24] =	ssyncset.done @!p3 $0x0  }
0x4e: {  	s29 =	sadd.s32 @!p0 $0x80, s22;
	[sflag:s24] =	ssyncadd.s32 @!p3 $0xFFFFE000;
	s24 =	simm.s32 @!p3 $0x6  }
0x4f: {  	[spmem:s2] =	stream.indirect.scatter.add.f32 @!p3 [tilespmem:s26], [sflag:$0x6], $0x40, s25, s28, $0xb8;
	[tilespmem:$0x1BE00] =	vst v63  }
0x50: {  	s25 =	sadd.s32 @!p0 $0x100, s22;
	s26 =	sadd.s32 @!p0 $0x180, s22;
	_ =	swait.ge @!p3 [sflag:s24], $0x2000  }
0x51: {  	s28 =	simm.s32 @!p0 $0xC000;
	s22 =	sadd.s32 @!p0 $0x5000, s22;
	[sflag:s24] =	ssyncset.done @!p3 $0x0  }
0x52: {  	s30 =	sshra.s32 @!p2 s15, $0x2;
	[sflag:s24] =	ssyncadd.s32 @!p3 $0xFFFFE000;
	s24 =	simm.s32 @!p2 $0x3  }
0x53: {  	[tilespmem:s28], [sflag:$0x2] =	stream.indirect.gather @!p0 [hbm4b:s4+s18], $0x40, s29, s18, $0xb8;
	[tilespmem:$0x1BE00] =	vst v63  }
0x54: {  	s20 =	sadd.s32 $0x800, s20;
	s28 =	sadd.s32 @!p2 $0x4F00, s30;
	_ =	swait.ge @!p2 [sflag:s24], $0x2000  }
0x55: {  	s29 =	simm.s32 @!p2 $0x80;
	s30 =	simm.s32 @!p2 $0xE000;
	[sflag:s24] =	ssyncset.done @!p2 $0x0  }
0x56: {  	p4 =	sne.s32 s20, $0x15000;
	[sflag:s24] =	ssyncadd.s32 @!p2 $0xFFFFE000;
	s24 =	simm.s32 @!p2 $0x7  }
0x57: {  	[spmem:s2] =	stream.indirect.scatter.add.f32 @!p2 [tilespmem:s30], [sflag:$0x7], $0x40, s28, s29, $0xb8;
	[tilespmem:$0x1BE00] =	vst v63  }
0x58: {  	s28 =	sadd.s32 $0x3, s16;
	s16 =	smov.u32 s21;
	_ =	swait.ge @!p2 [sflag:s24], $0x2000  }
0x59: {  	s29 =	simm.s32 @!p0 $0xE000;
	p5 =	sgt.u32 s28, $0x9F;
	[sflag:s24] =	ssyncset.done @!p2 $0x0  }
0x5a: {  	s15 =	sshra.s32 @!p5 s15, $0x2;
	[sflag:s24] =	ssyncadd.s32 @!p2 $0xFFFFE000;
	s24 =	simm.s32 @!p5 $0x4  }
0x5b: {  	[tilespmem:s29], [sflag:$0x3] =	stream.indirect.gather @!p0 [hbm4b:s4+s18], $0x40, s25, s18, $0xb8;
	[tilespmem:$0x1BE00] =	vst v63  }
0x5c: {  	s25 =	sadd.s32 @!p5 $0x4F80, s15;
	s15 =	smov.u32 s23;
	_ =	swait.ge @!p5 [sflag:s24], $0x2000  }
0x5d: {  	s28 =	simm.s32 @!p5 $0x10000;
	s23 =	simm.s32 @!p5 $0x80;
	[sflag:s24] =	ssyncset.done @!p5 $0x0  }
0x5e: {  	p3 =	por p1, p1;
	[sflag:s24] =	ssyncadd.s32 @!p5 $0xFFFFE000;
	s24 =	simm.s32 @!p5 $0x8  }
0x5f: {  	[spmem:s2] =	stream.indirect.scatter.add.f32 @!p5 [tilespmem:s28], [sflag:$0x8], $0x40, s25, s23, $0xb8;
	[tilespmem:$0x1BE00] =	vst v63  }
0x60: {  	_ =	swait.ge @!p5 [sflag:s24], $0x2000  }
.Ltmp1:
0x61: {  	s25 =	simm.s32 @!p0 $0x10000;
	[sflag:s24] =	ssyncset.done @!p5 $0x0;
	(pc) =	sbr.rel @p4 .LBB2_4-.Ltmp1, $4  }
0x62: {  	s23 =	simm.s32 @!p0 $0x1;
	[sflag:s24] =	ssyncadd.s32 @!p5 $0xFFFFE000  }
0x63: {  	[tilespmem:s25], [sflag:$0x4] =	stream.indirect.gather @!p0 [hbm4b:s4+s18], $0x40, s26, s18, $0xb8;
	[tilespmem:$0x1BE00] =	vst v63  }
0x64: {  	_ =	swait.ge @!p0 [sflag:s23], $0x2000  }
0x65: {  	s19 =	sadd.s32 $0x1, s19;
	s21 =	sadd.s32 $0x4, s21;
	[sflag:s23] =	ssyncset.done @!p0 $0x0  }
0x66: {  	s20 =	simm.s32 @!p3 $0x5;
	[sflag:s23] =	ssyncadd.s32 @!p0 $0xFFFFE000;
	s29 =	sadd.s32 $0x1, s16  }
0x67: {  	[spmem:s2] =	stream.indirect.scatter.add.f32 @!p0 [tilespmem:s17], [sflag:$0x5], $0x40, s22, s18, $0xb8;
	[tilespmem:$0x1BE00] =	vst v63  }
0x68: {  	p0 =	sgt.u32 s19, $0x27;
	p2 =	sgt.u32 s29, $0x9F;
	_ =	swait.ge @!p3 [sflag:s20], $0x2000  }
0x69: {  	s18 =	simm.s32 @!p0 $0xA000;
	s17 =	sshra.s32 @!p0 s15, $0x2;
	[sflag:s20] =	ssyncset.done @!p3 $0x0  }
0x6a: {  	s19 =	simm.s32 @!p0 $0x80;
	[sflag:s20] =	ssyncadd.s32 @!p3 $0xFFFFE000;
	s20 =	simm.s32 @!p2 $0x2  }
0x6b: {  	[tilespmem:s18], [sflag:$0x1] =	stream.indirect.gather @!p0 [hbm4b:s4+s19], $0x40, s17, s19, $0xb8;
	[tilespmem:$0x1BE00] =	vst v63  }
0x6c: {  	s21 =	sshra.s32 @!p2 s15, $0x2;
	_ =	swait.ge @!p2 [sflag:s20], $0x2000  }
0x6d: {  	s22 =	simm.s32 @!p2 $0xC000;
	s23 =	simm.s32 @!p2 $0x80;
	[sflag:s20] =	ssyncset.done @!p2 $0x0  }
0x6e: {  	s21 =	sadd.s32 @!p2 $0x4E80, s21;
	[sflag:s20] =	ssyncadd.s32 @!p2 $0xFFFFE000;
	s20 =	simm.s32 @!p2 $0x6  }
0x6f: {  	[spmem:s2] =	stream.indirect.scatter.add.f32 @!p2 [tilespmem:s22], [sflag:$0x6], $0x40, s21, s23, $0xb8;
	[tilespmem:$0x1BE00] =	vst v63  }
0x70: {  	s30 =	sadd.s32 $0x2, s16;
	_ =	swait.ge @!p2 [sflag:s20], $0x2000  }
0x71: {  	p1 =	sgt.u32 s30, $0x9F;
	s21 =	sadd.s32 @!p0 $0x80, s17;
	[sflag:s20] =	ssyncset.done @!p2 $0x0  }
0x72: {  	s22 =	simm.s32 @!p0 $0xC000;
	[sflag:s20] =	ssyncadd.s32 @!p2 $0xFFFFE000;
	s20 =	simm.s32 @!p1 $0x3  }
0x73: {  	[tilespmem:s22], [sflag:$0x2] =	stream.indirect.gather @!p0 [hbm4b:s4+s19], $0x40, s21, s19, $0xb8;
	[tilespmem:$0x1BE00] =	vst v63  }
0x74: {  	s23 =	simm.s32 @!p1 $0xE000;
	_ =	swait.ge @!p1 [sflag:s20], $0x2000  }
0x75: {  	s21 =	sshra.s32 @!p1 s15, $0x2;
	s22 =	simm.s32 @!p1 $0x80;
	[sflag:s20] =	ssyncset.done @!p1 $0x0  }
0x76: {  	s21 =	sadd.s32 @!p1 $0x4F00, s21;
	[sflag:s20] =	ssyncadd.s32 @!p1 $0xFFFFE000;
	s20 =	simm.s32 @!p1 $0x7  }
0x77: {  	[spmem:s2] =	stream.indirect.scatter.add.f32 @!p1 [tilespmem:s23], [sflag:$0x7], $0x40, s21, s22, $0xb8;
	[tilespmem:$0x1BE00] =	vst v63  }
0x78: {  	s31 =	sadd.s32 $0x3, s16;
	_ =	swait.ge @!p1 [sflag:s20], $0x2000  }
0x79: {  	s16 =	simm.s32 @!p0 $0xE000;
	p2 =	sgt.u32 s31, $0x9F;
	[sflag:s20] =	ssyncset.done @!p1 $0x0  }
0x7a: {  	s21 =	sadd.s32 @!p0 $0x100, s17;
	[sflag:s20] =	ssyncadd.s32 @!p1 $0xFFFFE000;
	s20 =	simm.s32 @!p2 $0x4  }
0x7b: {  	[tilespmem:s16], [sflag:$0x3] =	stream.indirect.gather @!p0 [hbm4b:s4+s19], $0x40, s21, s19, $0xb8;
	[tilespmem:$0x1BE00] =	vst v63  }
0x7c: {  	s15 =	sshra.s32 @!p2 s15, $0x2;
	_ =	swait.ge @!p2 [sflag:s20], $0x2000  }
0x7d: {  	s15 =	sadd.s32 @!p2 $0x4F80, s15;
	s16 =	simm.s32 @!p2 $0x80;
	[sflag:s20] =	ssyncset.done @!p2 $0x0  }
0x7e: {  	s21 =	simm.s32 @!p2 $0x10000;
	[sflag:s20] =	ssyncadd.s32 @!p2 $0xFFFFE000;
	s20 =	simm.s32 @!p2 $0x8  }
0x7f: {  	[spmem:s2] =	stream.indirect.scatter.add.f32 @!p2 [tilespmem:s21], [sflag:$0x8], $0x40, s15, s16, $0xb8;
	[tilespmem:$0x1BE00] =	vst v63  }
0x80: {  	_ =	swait.ge @!p2 [sflag:s20], $0x2000  }
0x81: {  	s15 =	sadd.s32 @!p0 $0x180, s17;
	[sflag:s20] =	ssyncset.done @!p2 $0x0  }
0x82: {  	s16 =	simm.s32 @!p0 $0x10000;
	[sflag:s20] =	ssyncadd.s32 @!p2 $0xFFFFE000;
	s20 =	simm.s32 @!p0 $0x1  }
0x83: {  	[tilespmem:s16], [sflag:$0x4] =	stream.indirect.gather @!p0 [hbm4b:s4+s19], $0x40, s15, s19, $0xb8;
	[tilespmem:$0x1BE00] =	vst v63  }
0x84: {  	_ =	swait.ge @!p0 [sflag:s20], $0x2000  }
0x85: {  	[sflag:s20] =	ssyncset.done @!p0 $0x0  }
0x86: {  	s14 =	sadd.s32 $0x1, s14;
	s15 =	sadd.s32 @!p0 $0x5000, s17;
	[sflag:s20] =	ssyncadd.s32 @!p0 $0xFFFFE000  }
0x87: {  	[spmem:s2] =	stream.indirect.scatter.add.f32 @!p0 [tilespmem:s18], [sflag:$0x5], $0x40, s15, s19, $0xb8;
	[tilespmem:$0x1BE00] =	vst v63  }
0x88: {  	p0 =	sne.s32 s14, s9  }
.Ltmp2:
0x89: {  	[bflag:$0x0] =	sbarrier.arrive $0xFFFF;
	(pc) =	sbr.rel @p0 .LBB2_1-.Ltmp2, $4  }
0x8a: {  	[hbm:s8], [sflag:s12] =	dma.local [spmem:s13], $0x13C0  }
0x8b: {  	_ =	swait.ge [sflag:s10], $0x13C0  }
0x8c: {  	[sflag:s10] =	ssyncset.done $0x0  }
0x8d: {  	[sflag:s10] =	ssyncadd.s32 $0xFFFFEC40  }
0x8e: {  	_ =	sfence.sel $0x180000  }
0x8f: {  	[bflag:$0x0] =	sbarrier.arrive $0xFFFF  }
0x90: {  	p0 =	sne.s32 s1, $0x0;
	_ =	strace $0x9000004A  }
0x91: {  	s0 =	sadd.s32 @!p0 $0x100000, s0;
	[bflag:$0x2] =	sbarrier.arrive $0xFFFF  }
0x92: {  	[sflag:s0] =	ssyncadd.tile.s32 @!p0 $0x1;
	_ =	shalt  }
.Lfunc_end2:
_tile_overlayer_lowered:
.L_overlay_start_2:
0x93: {  	(tag) =	ssettag $0x2  }
0x94: {  	s0 =	rddreg [dreg:$0x0];
	s2 =	stileid.u32  }
0x95: {  	s1 =	rddreg [dreg:$0x1];
	p0 =	sne.s32 s2, $0x0  }
0x96: {  	s3 =	rddreg [dreg:$0x2];
	[bflag:$0x3] =	sbarrier.arrive $0xFFFF;
	s2 =	simm.s32 @!p0 $0x1C09  }
0x97: {  	[timem:s3], [sflag:s2] =	dma.local @!p0 [hbm:s0], s1  }
0x98: {  	s0 =	simm.s32 @!p0 $0x9  }
0x99: {  	_ =	swait.ge @!p0 [sflag:s0], s1  }
0x9a: {  	s1 =	ssub.s32 @!p0 $0x0, s1;
	[sflag:s0] =	ssyncset.done @!p0 $0x0  }
0x9b: {  	[sflag:s0] =	ssyncadd.s32 @!p0 s1  }
0x9c: {  	[bflag:$0x3] =	sbarrier.arrive $0xFFFF  }
0x9d: {  	_ =	shalt  }

</sc_bundles>
